<compile_context>
chip_gen: v7x
topology: tpu7x:2x2x1
jax: 0.10.2.dev20260603
libtpu: 0.0.44.dev20260713+nightly
codegen_flags: <defaults>
</compile_context>

<pallas_src>
import jax
import jax.numpy as jnp
from jax.experimental import pallas as pl
from jax.experimental.pallas import tpu as pltpu

_N = 4096
_NR = _N // 2
_NC = _N // 2
_NB = _NR * _NC
_R = 64
_STRIPES = _NR // _R


def _fast_kernel(x_ref, vals_ref, cols_ref, cum_ref, pref_sm):
    s = pl.program_id(0)

    @pl.when(s == 0)
    def _():
        pref_sm[0] = 0

    xt = x_ref[...]
    x4 = xt.reshape(_R, 2, 32, 128)
    xa = x4[:, 0, :, :]
    xb = x4[:, 1, :, :]

    l = jax.lax.broadcasted_iota(jnp.int32, (1, 1, 128), 2)
    lam = ((l >> 2) << 1) | (l & 1)
    podd = ((l >> 1) & 1) == 1
    for w in (0, 1):
        idx = jnp.broadcast_to(lam + 64 * w, xa.shape)
        ga = jnp.take_along_axis(xa, idx, axis=2)
        gb = jnp.take_along_axis(xb, idx, axis=2)
        vals_ref[:, pl.Slice(w, 32, 2), :] = jnp.where(podd, gb, ga)

    m = jnp.where(jnp.logical_or(xa != 0, xb != 0), 1, 0)
    mp = jnp.bitwise_or(m, jnp.roll(m, -1, axis=2))
    even = (l & 1) == 0
    cnt = jnp.sum(jnp.where(even, mp, 0), axis=(1, 2))

    cols_ref[...] = jax.lax.broadcasted_iota(jnp.int32, (_R, _NC), 1)

    prefix = pref_sm[0]
    ii = jax.lax.broadcasted_iota(jnp.int32, (_R, _R), 0)
    jj = jax.lax.broadcasted_iota(jnp.int32, (_R, _R), 1)
    tri = jnp.where(jj <= ii, 1, 0)
    cum = prefix + jnp.sum(tri * cnt[None, :], axis=1)
    cum_ref[0, 0, :] = cum
    pref_sm[0] = cum[_R - 1]


def _run_fast(x32):
    return pl.pallas_call(
        _fast_kernel,
        grid=(_STRIPES,),
        in_specs=[pl.BlockSpec((2 * _R, 32, 128), lambda s: (s, 0, 0))],
        out_specs=[
            pl.BlockSpec((_R, 64, 128), lambda s: (s, 0, 0)),
            pl.BlockSpec((_R, _NC), lambda s: (s, 0)),
            pl.BlockSpec((1, 1, _R), lambda s: (s, 0, 0)),
        ],
        out_shape=[
            jax.ShapeDtypeStruct((_NR, 64, 128), jnp.float32),
            jax.ShapeDtypeStruct((_NR, _NC), jnp.int32),
            jax.ShapeDtypeStruct((_STRIPES, 1, _R), jnp.int32),
        ],
        scratch_shapes=[
            pltpu.SMEM((1,), jnp.int32),
        ],
        compiler_params=pltpu.CompilerParams(
            dimension_semantics=("arbitrary",)
        ),
    )(x32)


def kernel(x):
    x32 = x.reshape(_N, 32, 128)
    vals, cols2d, cum3 = _run_fast(x32)
    cum = cum3.reshape(_NR)
    crow = jnp.concatenate([jnp.zeros((1,), jnp.int32), cum])
    values_fast = vals.reshape(_NB, 2, 2)
    cols_fast = cols2d.reshape(_NB)

    def _general(_):
        blocks = x.reshape(_NR, 2, _NC, 2).transpose(0, 2, 1, 3)
        mask = jnp.any(blocks != 0, axis=(2, 3))
        rows, cols_g = jnp.nonzero(mask, size=_NB)
        values_g = blocks[rows, cols_g]
        return cols_g.astype(jnp.int32), values_g

    def _fast(_):
        return cols_fast, values_fast

    nnzb = cum[_NR - 1]
    cols, values = jax.lax.cond(nnzb == _NB, _fast, _general, None)
    return crow, cols, values

# --- scband reference (transcript-rebuilt; emitter-appended) ---
"""Pipeline reference for scband-to-sparse-bsr-op-73710228734308 (READ-ONLY COPY).

The authoritative reference and input builder live on the scoring server;
editing this copy changes nothing except your own understanding.
"""

import jax, jax.numpy as jnp
import numpy as np


def setup_inputs(seed: int = 0) -> dict:
    key = jax.random.key(seed)
    x = jax.random.normal(key, (4096, 4096), dtype=jnp.float32)
    return {"x": x}


def reference(x):
    # Faithful re-implementation of torch's Tensor.to_sparse_bsr(blocksize=(2, 2)).
    # Produces (crow_indices, col_indices, values) where values holds the dense
    # contents of every block that contains at least one nonzero element.
    bh, bw = 2, 2
    n, m = x.shape
    nr, nc = n // bh, m // bw
    # [nr, nc, bh, bw] block view
    blocks = x.reshape(nr, bh, nc, bw).transpose(0, 2, 1, 3)
    # a block is kept iff any element in it is nonzero (torch semantics)
    mask = jnp.any(blocks != 0, axis=(2, 3))  # [nr, nc]
    rows, cols = jnp.nonzero(mask, size=nr * nc)
    values = blocks[rows, cols]  # [nnzb, bh, bw]
    counts = jnp.sum(mask.astype(jnp.int64), axis=1)
    crow_indices = jnp.concatenate(
        [jnp.zeros((1,), dtype=jnp.int64), jnp.cumsum(counts).astype(jnp.int64)]
    )
    col_indices = cols.astype(jnp.int64)
    return crow_indices, col_indices, values

if __name__ == "__main__":
    import jax
    _d = setup_inputs()
    print(jax.jit(kernel)(*tuple(_d.values())))

</pallas_src>

<mosaic_0001>
module attributes {stable_mosaic.version = 14 : i64} {
  func.func @_fast_kernel(%arg0: i32, %arg1: memref<128x32x128xf32, #tpu.memory_space<vmem>>, %arg2: memref<64x64x128xf32, #tpu.memory_space<vmem>>, %arg3: memref<64x2048xi32, #tpu.memory_space<vmem>>, %arg4: memref<1x1x64xi32, #tpu.memory_space<vmem>>, %arg5: memref<1xi32, #tpu.memory_space<smem>>) attributes {dimension_semantics = [#tpu.dimension_semantics<arbitrary>], iteration_bounds = array<i64: 32>, scalar_prefetch = 0 : i64, scratch_operands = 1 : i64, tpu.core_type = #tpu.core_type<tc>, window_params = [{transform_indices = @transform_0, window_bounds = array<i64: 128, 32, 128>}, {transform_indices = @transform_1, window_bounds = array<i64: 64, 64, 128>}, {transform_indices = @transform_2, window_bounds = array<i64: 64, 2048>}, {transform_indices = @transform_3, window_bounds = array<i64: 1, 1, 64>}]} {
    %eq3A = arith.constant 0 : i32
    %eq3A_0 = arith.cmpi eq, %arg0, %eq3A : i32
    %convert_element_type3A = arith.extui %eq3A_0 : i1 to i32
    %cond3A = arith.constant 0 : i32
    %cond3A_1 = arith.cmpi ne, %convert_element_type3A, %cond3A : i32
    scf.if %cond3A_1 {
      %swap3A_134 = arith.constant 0 : i32
      %swap3A_135 = arith.constant 0 : index
      %swap3A_136 = memref.load %arg5[%swap3A_135] : memref<1xi32, #tpu.memory_space<smem>>
      memref.store %swap3A_134, %arg5[%swap3A_135] : memref<1xi32, #tpu.memory_space<smem>>
    } else {
    }
    %get3A = arith.constant 0 : index
    %get3A_2 = arith.constant 0 : index
    %get3A_3 = arith.constant 0 : index
    %get3A_4 = vector.load %arg1[%get3A, %get3A_2, %get3A_3] : memref<128x32x128xf32, #tpu.memory_space<vmem>>, vector<128x32x128xf32>
    %reshape3A = vector.shape_cast %get3A_4 : vector<128x32x128xf32> to vector<64x2x32x128xf32>
    %slice3A = vector.extract_strided_slice %reshape3A {offsets = [0, 0, 0, 0], sizes = [64, 1, 32, 128], strides = [1, 1, 1, 1]} : vector<64x2x32x128xf32> to vector<64x1x32x128xf32>
    %squeeze3A = vector.shape_cast %slice3A : vector<64x1x32x128xf32> to vector<64x32x128xf32>
    %slice3A_5 = vector.extract_strided_slice %reshape3A {offsets = [0, 1, 0, 0], sizes = [64, 1, 32, 128], strides = [1, 1, 1, 1]} : vector<64x2x32x128xf32> to vector<64x1x32x128xf32>
    %squeeze3A_6 = vector.shape_cast %slice3A_5 : vector<64x1x32x128xf32> to vector<64x32x128xf32>
    %iota3A = tpu.iota {dimensions = array<i32: 2>} : vector<1x1x128xi32>
    %shift_right_arithmetic3A = arith.constant 2 : i32
    %shift_right_arithmetic3A_7 = vector.broadcast %shift_right_arithmetic3A : i32 to vector<1x1x128xi32>
    %shift_right_arithmetic3A_8 = arith.shrsi %iota3A, %shift_right_arithmetic3A_7 : vector<1x1x128xi32>
    %shift_left3A = arith.constant 1 : i32
    %shift_left3A_9 = vector.broadcast %shift_left3A : i32 to vector<1x1x128xi32>
    %shift_left3A_10 = arith.shli %shift_right_arithmetic3A_8, %shift_left3A_9 : vector<1x1x128xi32>
    %and3A = arith.constant 1 : i32
    %and3A_11 = vector.broadcast %and3A : i32 to vector<1x1x128xi32>
    %and3A_12 = arith.andi %iota3A, %and3A_11 : vector<1x1x128xi32>
    %or3A = arith.ori %shift_left3A_10, %and3A_12 : vector<1x1x128xi32>
    %shift_right_arithmetic3A_13 = arith.constant 1 : i32
    %shift_right_arithmetic3A_14 = vector.broadcast %shift_right_arithmetic3A_13 : i32 to vector<1x1x128xi32>
    %shift_right_arithmetic3A_15 = arith.shrsi %iota3A, %shift_right_arithmetic3A_14 : vector<1x1x128xi32>
    %and3A_16 = arith.constant 1 : i32
    %and3A_17 = vector.broadcast %and3A_16 : i32 to vector<1x1x128xi32>
    %and3A_18 = arith.andi %shift_right_arithmetic3A_15, %and3A_17 : vector<1x1x128xi32>
    %eq3A_19 = arith.constant 1 : i32
    %eq3A_20 = vector.broadcast %eq3A_19 : i32 to vector<1x1x128xi32>
    %eq3A_21 = arith.cmpi eq, %and3A_18, %eq3A_20 : vector<1x1x128xi32>
    %add3A = arith.constant 0 : i32
    %add3A_22 = vector.broadcast %add3A : i32 to vector<1x1x128xi32>
    %add3A_23 = arith.addi %or3A, %add3A_22 : vector<1x1x128xi32>
    %broadcast_in_dim3A = vector.shape_cast %add3A_23 : vector<1x1x128xi32> to vector<1x1x128xi32>
    %broadcast_in_dim3A_24 = vector.broadcast %broadcast_in_dim3A : vector<1x1x128xi32> to vector<64x32x128xi32>
    %lt3A = arith.constant 0 : i32
    %lt3A_25 = vector.broadcast %lt3A : i32 to vector<64x32x128xi32>
    %lt3A_26 = arith.cmpi slt, %broadcast_in_dim3A_24, %lt3A_25 : vector<64x32x128xi32>
    %add3A_27 = arith.constant 128 : i32
    %add3A_28 = vector.broadcast %add3A_27 : i32 to vector<64x32x128xi32>
    %add3A_29 = arith.addi %broadcast_in_dim3A_24, %add3A_28 : vector<64x32x128xi32>
    %select_n3A = arith.select %lt3A_26, %add3A_29, %broadcast_in_dim3A_24 : vector<64x32x128xi1>, vector<64x32x128xi32>
    %reshape3A_30 = vector.shape_cast %select_n3A : vector<64x32x128xi32> to vector<64x32x128x1xi32>
    %gather3A = vector.shape_cast %reshape3A_30 : vector<64x32x128x1xi32> to vector<64x32x128xi32>
    %gather3A_31 = tpu.dynamic_gather %squeeze3A[%gather3A] in [2] : vector<64x32x128xf32>, vector<64x32x128xi32> -> vector<64x32x128xf32>
    %lt3A_32 = arith.constant 0 : i32
    %lt3A_33 = vector.broadcast %lt3A_32 : i32 to vector<64x32x128xi32>
    %lt3A_34 = arith.cmpi slt, %broadcast_in_dim3A_24, %lt3A_33 : vector<64x32x128xi32>
    %add3A_35 = arith.constant 128 : i32
    %add3A_36 = vector.broadcast %add3A_35 : i32 to vector<64x32x128xi32>
    %add3A_37 = arith.addi %broadcast_in_dim3A_24, %add3A_36 : vector<64x32x128xi32>
    %select_n3A_38 = arith.select %lt3A_34, %add3A_37, %broadcast_in_dim3A_24 : vector<64x32x128xi1>, vector<64x32x128xi32>
    %reshape3A_39 = vector.shape_cast %select_n3A_38 : vector<64x32x128xi32> to vector<64x32x128x1xi32>
    %gather3A_40 = vector.shape_cast %reshape3A_39 : vector<64x32x128x1xi32> to vector<64x32x128xi32>
    %gather3A_41 = tpu.dynamic_gather %squeeze3A_6[%gather3A_40] in [2] : vector<64x32x128xf32>, vector<64x32x128xi32> -> vector<64x32x128xf32>
    %broadcast_in_dim3A_42 = vector.shape_cast %eq3A_21 : vector<1x1x128xi1> to vector<1x1x128xi1>
    %broadcast_in_dim3A_43 = vector.broadcast %broadcast_in_dim3A_42 : vector<1x1x128xi1> to vector<64x32x128xi1>
    %select_n3A_44 = arith.select %broadcast_in_dim3A_43, %gather3A_41, %gather3A_31 : vector<64x32x128xi1>, vector<64x32x128xf32>
    %swap3A = arith.constant 0 : index
    %swap3A_45 = arith.constant 0 : index
    %swap3A_46 = arith.constant 0 : index
    %swap3A_47 = tpu.strided_load %arg2[%swap3A, %swap3A_45, %swap3A_46] {strides = array<i32: 1, 2, 1>} : memref<64x64x128xf32, #tpu.memory_space<vmem>>, vector<64x32x128xf32>
    tpu.strided_store %arg2[%swap3A, %swap3A_45, %swap3A_46], %select_n3A_44 {strides = array<i32: 1, 2, 1>} : memref<64x64x128xf32, #tpu.memory_space<vmem>>, vector<64x32x128xf32>
    %add3A_48 = arith.constant 64 : i32
    %add3A_49 = vector.broadcast %add3A_48 : i32 to vector<1x1x128xi32>
    %add3A_50 = arith.addi %or3A, %add3A_49 : vector<1x1x128xi32>
    %broadcast_in_dim3A_51 = vector.shape_cast %add3A_50 : vector<1x1x128xi32> to vector<1x1x128xi32>
    %broadcast_in_dim3A_52 = vector.broadcast %broadcast_in_dim3A_51 : vector<1x1x128xi32> to vector<64x32x128xi32>
    %lt3A_53 = arith.constant 0 : i32
    %lt3A_54 = vector.broadcast %lt3A_53 : i32 to vector<64x32x128xi32>
    %lt3A_55 = arith.cmpi slt, %broadcast_in_dim3A_52, %lt3A_54 : vector<64x32x128xi32>
    %add3A_56 = arith.constant 128 : i32
    %add3A_57 = vector.broadcast %add3A_56 : i32 to vector<64x32x128xi32>
    %add3A_58 = arith.addi %broadcast_in_dim3A_52, %add3A_57 : vector<64x32x128xi32>
    %select_n3A_59 = arith.select %lt3A_55, %add3A_58, %broadcast_in_dim3A_52 : vector<64x32x128xi1>, vector<64x32x128xi32>
    %reshape3A_60 = vector.shape_cast %select_n3A_59 : vector<64x32x128xi32> to vector<64x32x128x1xi32>
    %gather3A_61 = vector.shape_cast %reshape3A_60 : vector<64x32x128x1xi32> to vector<64x32x128xi32>
    %gather3A_62 = tpu.dynamic_gather %squeeze3A[%gather3A_61] in [2] : vector<64x32x128xf32>, vector<64x32x128xi32> -> vector<64x32x128xf32>
    %lt3A_63 = arith.constant 0 : i32
    %lt3A_64 = vector.broadcast %lt3A_63 : i32 to vector<64x32x128xi32>
    %lt3A_65 = arith.cmpi slt, %broadcast_in_dim3A_52, %lt3A_64 : vector<64x32x128xi32>
    %add3A_66 = arith.constant 128 : i32
    %add3A_67 = vector.broadcast %add3A_66 : i32 to vector<64x32x128xi32>
    %add3A_68 = arith.addi %broadcast_in_dim3A_52, %add3A_67 : vector<64x32x128xi32>
    %select_n3A_69 = arith.select %lt3A_65, %add3A_68, %broadcast_in_dim3A_52 : vector<64x32x128xi1>, vector<64x32x128xi32>
    %reshape3A_70 = vector.shape_cast %select_n3A_69 : vector<64x32x128xi32> to vector<64x32x128x1xi32>
    %gather3A_71 = vector.shape_cast %reshape3A_70 : vector<64x32x128x1xi32> to vector<64x32x128xi32>
    %gather3A_72 = tpu.dynamic_gather %squeeze3A_6[%gather3A_71] in [2] : vector<64x32x128xf32>, vector<64x32x128xi32> -> vector<64x32x128xf32>
    %broadcast_in_dim3A_73 = vector.shape_cast %eq3A_21 : vector<1x1x128xi1> to vector<1x1x128xi1>
    %broadcast_in_dim3A_74 = vector.broadcast %broadcast_in_dim3A_73 : vector<1x1x128xi1> to vector<64x32x128xi1>
    %select_n3A_75 = arith.select %broadcast_in_dim3A_74, %gather3A_72, %gather3A_62 : vector<64x32x128xi1>, vector<64x32x128xf32>
    %swap3A_76 = arith.constant 0 : index
    %swap3A_77 = arith.constant 1 : index
    %swap3A_78 = arith.constant 0 : index
    %swap3A_79 = tpu.strided_load %arg2[%swap3A_76, %swap3A_77, %swap3A_78] {strides = array<i32: 1, 2, 1>} : memref<64x64x128xf32, #tpu.memory_space<vmem>>, vector<64x32x128xf32>
    tpu.strided_store %arg2[%swap3A_76, %swap3A_77, %swap3A_78], %select_n3A_75 {strides = array<i32: 1, 2, 1>} : memref<64x64x128xf32, #tpu.memory_space<vmem>>, vector<64x32x128xf32>
    %ne3A = arith.constant 0.000000e+00 : f32
    %ne3A_80 = vector.broadcast %ne3A : f32 to vector<64x32x128xf32>
    %ne3A_81 = arith.cmpf one, %squeeze3A, %ne3A_80 : vector<64x32x128xf32>
    %ne3A_82 = arith.constant 0.000000e+00 : f32
    %ne3A_83 = vector.broadcast %ne3A_82 : f32 to vector<64x32x128xf32>
    %ne3A_84 = arith.cmpf one, %squeeze3A_6, %ne3A_83 : vector<64x32x128xf32>
    %or3A_85 = arith.ori %ne3A_81, %ne3A_84 : vector<64x32x128xi1>
    %jit3A = arith.constant 1 : i32
    %jit3A_86 = arith.constant 0 : i32
    %broadcast_in_dim3A_87 = vector.broadcast %jit3A : i32 to vector<64x32x128xi32>
    %broadcast_in_dim3A_88 = vector.broadcast %jit3A_86 : i32 to vector<64x32x128xi32>
    %select_n3A_89 = arith.select %or3A_85, %broadcast_in_dim3A_87, %broadcast_in_dim3A_88 : vector<64x32x128xi1>, vector<64x32x128xi32>
    %slice3A_90 = vector.extract_strided_slice %select_n3A_89 {offsets = [0, 0, 1], sizes = [64, 32, 127], strides = [1, 1, 1]} : vector<64x32x128xi32> to vector<64x32x127xi32>
    %slice3A_91 = vector.extract_strided_slice %select_n3A_89 {offsets = [0, 0, 0], sizes = [64, 32, 1], strides = [1, 1, 1]} : vector<64x32x128xi32> to vector<64x32x1xi32>
    %concatenate3A = tpu.concatenate %slice3A_90, %slice3A_91 in 2 : vector<64x32x127xi32>, vector<64x32x1xi32> -> vector<64x32x128xi32>
    %or3A_92 = arith.ori %select_n3A_89, %concatenate3A : vector<64x32x128xi32>
    %and3A_93 = arith.constant 1 : i32
    %and3A_94 = vector.broadcast %and3A_93 : i32 to vector<1x1x128xi32>
    %and3A_95 = arith.andi %iota3A, %and3A_94 : vector<1x1x128xi32>
    %eq3A_96 = arith.constant 0 : i32
    %eq3A_97 = vector.broadcast %eq3A_96 : i32 to vector<1x1x128xi32>
    %eq3A_98 = arith.cmpi eq, %and3A_95, %eq3A_97 : vector<1x1x128xi32>
    %jit3A_99 = arith.constant 0 : i32
    %broadcast_in_dim3A_100 = vector.shape_cast %eq3A_98 : vector<1x1x128xi1> to vector<1x1x128xi1>
    %broadcast_in_dim3A_101 = vector.broadcast %broadcast_in_dim3A_100 : vector<1x1x128xi1> to vector<64x32x128xi1>
    %broadcast_in_dim3A_102 = vector.broadcast %jit3A_99 : i32 to vector<64x32x128xi32>
    %select_n3A_103 = arith.select %broadcast_in_dim3A_101, %or3A_92, %broadcast_in_dim3A_102 : vector<64x32x128xi1>, vector<64x32x128xi32>
    %reduce_sum3A = arith.constant dense<0> : vector<64xi32>
    %reduce_sum3A_104 = vector.multi_reduction <add>, %select_n3A_103, %reduce_sum3A [1, 2] : vector<64x32x128xi32> to vector<64xi32>
    %iota3A_105 = tpu.iota {dimensions = array<i32: 1>} : vector<64x2048xi32>
    %swap3A_106 = arith.constant 0 : index
    %swap3A_107 = arith.constant 0 : index
    %swap3A_108 = vector.load %arg3[%swap3A_106, %swap3A_107] : memref<64x2048xi32, #tpu.memory_space<vmem>>, vector<64x2048xi32>
    tpu.vector_store %arg3[%swap3A_106, %swap3A_107], %iota3A_105 {strides = array<i32>} : memref<64x2048xi32, #tpu.memory_space<vmem>>, vector<64x2048xi32>,
    %get3A_109 = arith.constant 0 : index
    %get3A_110 = memref.load %arg5[%get3A_109] : memref<1xi32, #tpu.memory_space<smem>>
    %iota3A_111 = tpu.iota {dimensions = array<i32: 0>} : vector<64x64xi32>
    %iota3A_112 = tpu.iota {dimensions = array<i32: 1>} : vector<64x64xi32>
    %le3A = arith.cmpi sle, %iota3A_112, %iota3A_111 : vector<64x64xi32>
    %jit3A_113 = arith.constant 1 : i32
    %jit3A_114 = arith.constant 0 : i32
    %broadcast_in_dim3A_115 = vector.broadcast %jit3A_113 : i32 to vector<64x64xi32>
    %broadcast_in_dim3A_116 = vector.broadcast %jit3A_114 : i32 to vector<64x64xi32>
    %select_n3A_117 = arith.select %le3A, %broadcast_in_dim3A_115, %broadcast_in_dim3A_116 : vector<64x64xi1>, vector<64x64xi32>
    %broadcast_in_dim3A_118 = vector.shape_cast %reduce_sum3A_104 : vector<64xi32> to vector<1x64xi32>
    %mul3A = vector.broadcast %broadcast_in_dim3A_118 : vector<1x64xi32> to vector<64x64xi32>
    %mul3A_119 = arith.muli %select_n3A_117, %mul3A : vector<64x64xi32>
    %reduce_sum3A_120 = arith.constant dense<0> : vector<64xi32>
    %reduce_sum3A_121 = vector.multi_reduction <add>, %mul3A_119, %reduce_sum3A_120 [1] : vector<64x64xi32> to vector<64xi32>
    %add3A_122 = vector.broadcast %get3A_110 : i32 to vector<64xi32>
    %add3A_123 = arith.addi %add3A_122, %reduce_sum3A_121 : vector<64xi32>
    %swap3A_124 = arith.constant 0 : index
    %swap3A_125 = arith.constant 0 : index
    %swap3A_126 = arith.constant 0 : index
    %swap3A_127 = vector.load %arg4[%swap3A_124, %swap3A_125, %swap3A_126] : memref<1x1x64xi32, #tpu.memory_space<vmem>>, vector<1x1x64xi32>
    %swap3A_128 = vector.shape_cast %swap3A_127 : vector<1x1x64xi32> to vector<64xi32>
    %swap3A_129 = vector.shape_cast %add3A_123 : vector<64xi32> to vector<1x1x64xi32>
    tpu.vector_store %arg4[%swap3A_124, %swap3A_125, %swap3A_126], %swap3A_129 {strides = array<i32>} : memref<1x1x64xi32, #tpu.memory_space<vmem>>, vector<1x1x64xi32>,
    %slice3A_130 = vector.extract_strided_slice %add3A_123 {offsets = [63], sizes = [1], strides = [1]} : vector<64xi32> to vector<1xi32>
    %squeeze3A_131 = vector.extract %slice3A_130[0] : i32 from vector<1xi32>
    %swap3A_132 = arith.constant 0 : index
    %swap3A_133 = memref.load %arg5[%swap3A_132] : memref<1xi32, #tpu.memory_space<smem>>
    memref.store %squeeze3A_131, %arg5[%swap3A_132] : memref<1xi32, #tpu.memory_space<smem>>
    return
  }
  func.func @transform_0(%arg0: i32) -> (i32, i32, i32) {
    %c0_i32 = arith.constant 0 : i32
    %c0_i32_0 = arith.constant 0 : i32
    %c0_i32_1 = arith.constant 0 : i32
    return %arg0, %c0_i32, %c0_i32_0 : i32, i32, i32
  }
  func.func @transform_1(%arg0: i32) -> (i32, i32, i32) {
    %c0_i32 = arith.constant 0 : i32
    %c0_i32_0 = arith.constant 0 : i32
    %c0_i32_1 = arith.constant 0 : i32
    return %arg0, %c0_i32, %c0_i32_0 : i32, i32, i32
  }
  func.func @transform_2(%arg0: i32) -> (i32, i32) {
    %c0_i32 = arith.constant 0 : i32
    %c0_i32_0 = arith.constant 0 : i32
    return %arg0, %c0_i32 : i32, i32
  }
  func.func @transform_3(%arg0: i32) -> (i32, i32, i32) {
    %c0_i32 = arith.constant 0 : i32
    %c0_i32_0 = arith.constant 0 : i32
    %c0_i32_1 = arith.constant 0 : i32
    return %arg0, %c0_i32, %c0_i32_0 : i32, i32, i32
  }
}

</mosaic_0001>

<sc_bundles>
// kernel: scatter_offload_async_start
scs
__scs_entry_jumppad:
0x0: {  	(pc) =	sbr.rel $0x88, $3  }
0x1: {  	(tag) =	ssettag $0x0;
	lr =	simm.s32 $0x1  }
0x2: {  	[smem:$0x3FA0] =	sst lr;
	_ =	strace $0xD0000000  }
0x3: {  	_ = 	snop  }
0x4: {  	_ = 	snop  }
0x5: {  	_ = 	snop  }
0x6: {  	_ = 	snop  }
0x7: {  	_ = 	snop  }
__scs_overlays_trampoline_lowered:
0x8: {  	[smem:$0x3FAF] =	sst s0  }
0x9: {  	[smem:$0x3FB0] =	sst s1  }
0xa: {  	[smem:$0x3FB1] =	sst s2  }
0xb: {  	[smem:$0x3FB2] =	sst s3  }
0xc: {  	[smem:$0x3FB3] =	sst s4  }
0xd: {  	[smem:$0x3FB4] =	sst s5  }
0xe: {  	[smem:$0x3FB5] =	sst s6  }
0xf: {  	[smem:$0x3FB6] =	sst s7  }
0x10: {  	[smem:$0x3FB7] =	sst s8  }
0x11: {  	[smem:$0x3FB8] =	sst s9;
	s0 =	simm.s32 @!p0 $0x0  }
0x12: {  	s1 =	sld [smem:$0x3F9E];
	s0 =	simm.s32 @p0 $0x1  }
0x13: {  	[smem:$0x3FB9] =	sst s0;
	s0 =	simm.s32 @!p1 $0x0  }
0x14: {  	s2 =	sld [smem:$0x3F9D];
	s0 =	simm.s32 @p1 $0x1  }
0x15: {  	[smem:$0x3FBA] =	sst s0;
	s0 =	simm.s32 @!p2 $0x0  }
0x16: {  	s3 =	sld [smem:$0x3FDB];
	s0 =	simm.s32 @p2 $0x1  }
0x17: {  	s4 =	simm.s32 $0x1BF5;
	[smem:$0x3FBC] =	sst s0  }
0x18: {  	s0 =	sld [smem:$0x3F9F];
	_ =	swait.ge [sflag:s4], $0x0  }
0x19: {  	s7 =	sld [smem:$0x3FA0]  }
0x1a: {  	s8 =	sadd.s32 $0xFFFFE003, lr  }
0x1b: {  	s9 =	sadd.s32 $0xFFFFFEF7, lr;
	s5 =	simm.s32 $0xFFFFFFFF;
	p2 =	slt.u32 s8, $0xFFFFF086  }
0x1c: {  	p1 =	slt.u32 s9, $0xF7A;
	s5 =	simm.s32 @!p2 $0x0  }
0x1d: {  	s5 =	simm.s32 @p1 $0x1;
	p0 =	seq.s32 s7, s2  }
0x1e: {  	s7 =	smul.u32 @!p0 $0xF7A, s2;
	p2 =	seq.s32 @!p0 s5, $0x0  }
0x1f: {  	s9 =	smul.u32 $0xF7A, s1;
	s8 =	simm.s32 @!p0 $0x1BF5;
	p2 =	por !p2, p0  }
0x20: {  	[sflag:s8] =	ssyncset.s32 @!p0 $0xFFFFF086;
	s6 =	sadd.s32 @!p0 s3, s7;
	s7 =	simm.s32 @!p0 $0x108  }
0x21: {  	s3 =	sadd.s32 s3, s9;
	s6 =	sadd.s32 @!p0 $0x88, s6;
	s7 =	simm.s32 @p2 $0x1082  }
0x22: {  	[simem:s7], [sflag:s8] =	dma.local @!p0 [hbm:s6], $0xF7A  }
0x23: {  	s9 =	sor.u32 $0xD0000000, s2;
	s6 =	simm.s32 $0x108;
	_ =	swait.ge @!p0 [sflag:s8], $0x0  }
0x24: {  	s3 =	sadd.s32 $0x88, s3;
	s6 =	simm.s32 @!p1 $0x1082;
	[sflag:s4] =	ssyncset.s32 $0xFFFFF086  }
0x25: {  	[simem:s6], [sflag:s4] =	dma.local [hbm:s3], $0xF7A  }
0x26: {  	[smem:$0x3FA0] =	sst s1;
	(tag) =	ssettag s2;
	_ =	strace s9  }
0x27: {  	s1 =	sld [smem:$0x3FB0]  }
0x28: {  	s2 =	sld [smem:$0x3FB1]  }
0x29: {  	s4 =	sld [smem:$0x3FB3]  }
0x2a: {  	p0 =	seq.s32 s5, $0x0;
	s5 =	sld [smem:$0x3FB4]  }
0x2b: {  	s6 =	sld [smem:$0x3FB5]  }
0x2c: {  	s7 =	sld [smem:$0x3FB6]  }
0x2d: {  	s3 =	simm.s32 $0x108;
	s8 =	sld [smem:$0x3FB7]  }
0x2e: {  	s3 =	simm.s32 @!p0 $0x1082;
	s9 =	sld [smem:$0x3FB8]  }
0x2f: {  	lr =	sadd.s32 s0, s3;
	s0 =	sld [smem:$0x3FAF]  }
0x30: {  	s3 =	sld [smem:$0x3FB2]  }
0x31: {  	[smem:$0x3FBB] =	sst s10  }
0x32: {  	s10 =	sld [smem:$0x3FB9];
	_ =	sdelay $0x3  }
0x33: {  	p0 =	seq.s32 s10, $0x1;
	s10 =	sld [smem:$0x3FBB];
	_ =	sdelay $0x3  }
0x34: {  	[smem:$0x3FBB] =	sst s10  }
0x35: {  	s10 =	sld [smem:$0x3FBA];
	_ =	sdelay $0x3  }
0x36: {  	p1 =	seq.s32 s10, $0x1;
	s10 =	sld [smem:$0x3FBB];
	_ =	sdelay $0x3  }
0x37: {  	[smem:$0x3FBB] =	sst s10  }
0x38: {  	s10 =	sld [smem:$0x3FBC]  }
0x39: {  	_ = 	snop;
	(pc) =	sbr.ind lr, $3  }
0x3a: {  	_ = 	snop  }
0x3b: {  	_ = 	snop  }
0x3c: {  	p2 =	seq.s32 s10, $0x1;
	s10 =	sld [smem:$0x3FBB]  }
0x3d: {  	_ =	shalt  }
0x3e: {  	_ =	shalt  }
0x3f: {  	_ =	shalt  }
0x40: {  	_ =	shalt  }
0x41: {  	_ =	shalt  }
0x42: {  	_ =	shalt  }
0x43: {  	_ =	shalt  }
0x44: {  	_ =	shalt  }
0x45: {  	_ =	shalt  }
0x46: {  	_ =	shalt  }
0x47: {  	_ =	shalt  }
0x48: {  	_ =	shalt  }
0x49: {  	_ =	shalt  }
0x4a: {  	_ =	shalt  }
0x4b: {  	_ =	shalt  }
0x4c: {  	_ =	shalt  }
0x4d: {  	_ =	shalt  }
0x4e: {  	_ =	shalt  }
0x4f: {  	_ =	shalt  }
0x50: {  	_ =	shalt  }
0x51: {  	_ =	shalt  }
0x52: {  	_ =	shalt  }
0x53: {  	_ =	shalt  }
0x54: {  	_ =	shalt  }
0x55: {  	_ =	shalt  }
0x56: {  	_ =	shalt  }
0x57: {  	_ =	shalt  }
0x58: {  	_ =	shalt  }
0x59: {  	_ =	shalt  }
0x5a: {  	_ =	shalt  }
0x5b: {  	_ =	shalt  }
0x5c: {  	_ =	shalt  }
0x5d: {  	_ =	shalt  }
0x5e: {  	_ =	shalt  }
0x5f: {  	_ =	shalt  }
0x60: {  	_ =	shalt  }
0x61: {  	_ =	shalt  }
0x62: {  	_ =	shalt  }
0x63: {  	_ =	shalt  }
0x64: {  	_ =	shalt  }
0x65: {  	_ =	shalt  }
0x66: {  	_ =	shalt  }
0x67: {  	_ =	shalt  }
0x68: {  	_ =	shalt  }
0x69: {  	_ =	shalt  }
0x6a: {  	_ =	shalt  }
0x6b: {  	_ =	shalt  }
0x6c: {  	_ =	shalt  }
0x6d: {  	_ =	shalt  }
0x6e: {  	_ =	shalt  }
0x6f: {  	_ =	shalt  }
0x70: {  	_ =	shalt  }
0x71: {  	_ =	shalt  }
0x72: {  	_ =	shalt  }
0x73: {  	_ =	shalt  }
0x74: {  	_ =	shalt  }
0x75: {  	_ =	shalt  }
0x76: {  	_ =	shalt  }
0x77: {  	_ =	shalt  }
0x78: {  	_ =	shalt  }
0x79: {  	_ =	shalt  }
0x7a: {  	_ =	shalt  }
0x7b: {  	_ =	shalt  }
0x7c: {  	_ =	shalt  }
0x7d: {  	_ =	shalt  }
0x7e: {  	_ =	shalt  }
0x7f: {  	_ =	shalt  }
0x80: {  	_ =	shalt  }
0x81: {  	_ =	shalt  }
0x82: {  	_ =	shalt  }
0x83: {  	_ =	shalt  }
0x84: {  	_ =	shalt  }
0x85: {  	_ =	shalt  }
0x86: {  	_ =	shalt  }
0x87: {  	_ =	shalt  }
.Lfunc_end0:
.L_simem_size_0:
called_computation_lowered:
.L_overlay_start_0:
0x88: {  	s0 =	sld [smem:$0x3FD9]  }
0x89: {  	s1 =	sld [smem:$0x3FFE];
	_ =	sdelay $0x3  }
0x8a: {  	s0 =	sadd.s32 s1, s0  }
0x8b: {  	[smem:$0x3FC7] =	sst s0  }
0x8c: {  	_ = 	snop  }
0x8d: {  	s0 =	sld [smem:$0x3FD0];
	_ =	sdelay $0x2  }
0x8e: {  	s13 =	simm.s32 $0xA;
	s2 =	simm.s32 $0x10  }
0x8f: {  	[smem:s2], [sflag:s13] =	dma.local [hbm:s0], $0x1  }
0x90: {  	_ =	swait.eq [sflag:s13], $0x1  }
0x91: {  	[sflag:s13] =	ssyncset.done $0x0  }
0x92: {  	s14 =	sld [smem:$0x11];
	[sflag:s13] =	ssyncadd.s32 $0xFFFFFFFF  }
0x93: {  	s15 =	sld [smem:$0x12];
	(tm) =	ssettm $0x1  }
0x94: {  	s16 =	sld [smem:$0x3FFB];
	_ =	sdelay $0x3  }
0x95: {  	_ =	strace s16  }
0x96: {  	s2 =	sld [smem:$0x3FFC];
	_ =	sdelay $0x3  }
0x97: {  	_ =	strace s2  }
0x98: {  	s2 =	sld [smem:$0x3FFD];
	_ =	sdelay $0x3  }
0x99: {  	_ =	strace s2  }
0x9a: {  	_ =	strace $0x8FFFFFFF  }
0x9b: {  	s17 =	sld [smem:$0x3FDB];
	_ =	sdelay $0x1  }
0x9c: {  	s3 =	simm.s32 $_scs_section_size  }
0x9d: {  	s4 =	simm.s32 $_size__tile_overlayer_lowered;
	s5 =	simm.s32 $_tile_overlayer_lowered  }
0x9e: {  	s20 =	simm.s32 $0x1BFF;
	s19 =	sshll.u32 s5, $0x1;
	s2 =	sadd.s32 s3, s17  }
0x9f: {  	s6 =	simm.s32 $0x0;
	s18 =	sshll.u32 s4, $0x1;
	s4 =	sadd.s32 s19, s2  }
0xa0: {  	[timem:s6], [sflag:s20] =	dma.local [hbm:s4], s18  }
0xa1: {  	_ =	swait.ge [sflag:s20], s18  }
0xa2: {  	s3 =	ssub.s32 $0x0, s18;
	[sflag:s20] =	ssyncset.done $0x0  }
0xa3: {  	[sflag:s20] =	ssyncadd.s32 s3;
	_ =	sdelay $0x1  }
0xa4: {  	s21 =	simm.s32 $0x1B8B  }
0xa5: {  	_ =	swait.ge [sflag:s21], $0x1  }
0xa6: {  	[sflag:s21] =	ssyncset.done $0x0  }
0xa7: {  	s23 =	simm.s32 $0x1B8E;
	s22 =	sld [smem:$0x3FFE];
	[sflag:s21] =	ssyncadd.s32 $0xFFFFFFFF  }
0xa8: {  	s24 =	simm.s32 $execute0_lowered;
	[smem:$0x3FD2] =	sst s23  }
0xa9: {  	s4 =	sshll.u32 s24, $0x1;
	_ =	strace $0x80000049;
	[dreg:$0x1] =	wrdreg $0xFFFFFFFF  }
0xaa: {  	s25 =	simm.s32 $_size_execute0_lowered;
	s2 =	sadd.s32 s2, s4;
	[dreg:$0x0] =	wrdreg $0x0  }
0xab: {  	s4 =	sshll.u32 s25, $0x1;
	[dreg:$0x2] =	wrdreg s2  }
0xac: {  	[dreg:$0x3] =	wrdreg s4  }
0xad: {  	[dreg:$0x4] =	wrdreg $0xC0  }
0xae: {  	_ =	task [dreg:s6], $0x5FFFF  }
0xaf: {  	[dreg:$0x1] =	wrdreg $0xFFFFFFFF  }
0xb0: {  	[dreg:$0x0] =	wrdreg $0x60  }
0xb1: {  	[dreg:$0x2] =	wrdreg s14  }
0xb2: {  	[dreg:$0x3] =	wrdreg s15  }
0xb3: {  	[dreg:$0x4] =	wrdreg s22  }
0xb4: {  	[dreg:$0x5] =	wrdreg $0x9  }
0xb5: {  	_ =	task.clear_ibuf [dreg:s6], $0x6FFFF;
	_ =	strace $0x90000049  }
0xb6: {  	s26 =	simm.s32 $0x9;
	_ =	strace $0x8000004B  }
0xb7: {  	_ =	swait.ge [sflag:s26], $0x1  }
0xb8: {  	[sflag:s26] =	ssyncadd.s32 $0xFFFFFFFF  }
0xb9: {  	_ =	strace $0x9000004B  }
0xba: {  	_ =	sfence  }
0xbb: {  	s28 =	sld [smem:$0x0];
	_ =	sdelay $0x1  }
0xbc: {  	s29 =	srdreg.scid  }
0xbd: {  	s30 =	sshll.u32 s29, $0xD;
	s31 =	sshrl.u32 s29, $0x2  }
0xbe: {  	s1 =	sand.u32 $0x1, s29;
	s2 =	sand.u32 $0x4000, s30;
	s0 =	sadd.s32 s31, s28  }
0xbf: {  	s1 =	sor.u32 s2, s1;
	s0 =	sshll.u32 s0, $0x11  }
0xc0: {  	s0 =	sor.u32 s0, s1  }
0xc1: {  	s0 =	sadd.s32 $0x8F2B, s0  }
0xc2: {  	[sflag:s0] =	ssyncadd.remote.s32 $0x1  }
0xc3: {  	_ =	sfence.sel $0xFFFF  }
0xc4: {  	[dreg:$0x0] =	wrdreg $0xFFFFFFFF;
	(pc) =	sbr.abs _section_cstart, $3  }
0xc5: {  	[dreg:$0x1] =	wrdreg $0xFFFFFFFF  }
0xc6: {  	_ =	task.clear_ibuf [dreg:s6], $0x2FFFF;
	_ =	strace $0x9FFFFFFF  }
0xc7: {  	(tm) =	ssettm $0x7FFFFFFF  }
tec
execute0_lowered:
.L_overlay_start_1:
0x0: {  	(tag) =	ssettag $0x1  }
0x1: {  	s1 =	rddreg [dreg:$0x0]  }
0x2: {  	s2 =	rddreg [dreg:$0x1]  }
0x3: {  	s3 =	rddreg [dreg:$0x2]  }
0x4: {  	s0 =	rddreg [dreg:$0x3];
	_ =	strace $0x8000004A;
	s4 =	simm.s32 $0x1  }
0x5: {  	v1 =	vimm.s32 $0xFFFFFFFF;
	[sflag:s4] =	ssyncpa.u1 $0x0  }
0x6: {  	[tilespmem:$0x10] =	vst v1  }
0x7: {  	v0 =	vimm.s32 $0x0;
	[tilespmem:$0x20] =	vst v1  }
0x8: {  	[tilespmem:$0x30] =	vst v0  }
0x9: {  	[tilespmem:$0x40] =	vst v0  }
0xa: {  	s31 =	simm.s32 $0x2;
	[tilespmem:$0x50] =	vst v0  }
0xb: {  	s5 =	simm.s32 $0x7;
	s7 =	simm.s32 $0x8;
	s10 =	simm.s32 $0x9;
	[tilespmem:$0x60] =	vst v1  }
0xc: {  	s13 =	simm.s32 $0x0;
	s14 =	simm.s32 $0xFFFFE000;
	s15 =	simm.s32 $0xFF;
	[tilespmem:$0x70] =	vst v1  }
0xd: {  	p0 =	por $0x0, $0x0;
	s16 =	simm.s32 $0xFFFFC100;
	s17 =	simm.s32 $0xFFFFFFFE;
	[tilespmem:$0x80] =	vst v1  }
0xe: {  	s18 =	simm.s32 $0xF;
	s19 =	simm.s32 $0x30;
	s22 =	simm.s32 $0x0;
	[tilespmem:$0x90] =	vst v0  }
.Ltmp0:
0xf: {  	s4 =	sadd.s32 $0x280200, s3;
	s3 =	stileid.u32;
	[tilespmem:$0xA0] =	vst v0;
	(pc) =	sbr.rel .LBB2_1-.Ltmp0, $4  }
0x10: {  	s20 =	simm.s32 $0x0;
	[tilespmem:$0xB0] =	vst v0;
	[sflag:s31] =	ssyncpa.u1 $0x0;
	s6 =	sshll.u32 s3, $0x12  }
0x11: {  	s8 =	sshll.u32 s3, $0x1;
	s11 =	sshllo.u32 s3, $0x1;
	[sflag:s5] =	ssyncpa.u1 $0x0  }
0x12: {  	vm0 =	vmmov $0xffff;
	vm1 =	vmxor vm1, vm1;
	s9 =	sadd.s32 $0x40000, s6;
	s12 =	sor.u32 $0x80, s8;
	[sflag:s7] =	ssyncpa.u1 $0x0  }
0x13: {  	vm2 =	vmmov $0x1;
	vm3 =	vcmask $0x3F3C;
	v1 =	vlaneseq.u32;
	s21 =	smov.u32 s6;
	[sflag:s10] =	ssyncpa.u1 $0x0;
	s10 =	sor.u32 $0x81, s8  }
.LBB2_8:
0x14: {  	v2 =	vld [tilespmem:s25+$0x100F0];
	_ =	sdelay $0x4  }
0x15: {  	v2 =	vshift.insert v2, v0, s18;
	_ =	sdelay $0x1  }
0x16: {  	[tilespmem:s19+$0x0] =	vst.msk $0x1, v2  }
0x17: {  	v2 =	vsel vm4, $0x1, v0;
	[tilespmem:$0x90] =	vst v5  }
0x18: {  	s25 =	sadd.s32 @!p1 $0x100FF, s25;
	[tilespmem:$0xA0] =	vst v2  }
0x19: {  	[spmem:s11] =	stream.linear.scatter @!p1 [tilespmem:s25], [sflag:$0x1], $0x1, $0x38;
	[tilespmem:$0x12120] =	vst v63  }
0x1a: {  	s25 =	simm.s32 @!p1 $0x1  }
0x1b: {  	v2 =	vmctz.xlane @!p1 vm4;
	_ =	swait.ge @!p1 [sflag:s25], $0x1  }
0x1c: {  	(v2sf) =	vpush @!p1 v3, $0x0  }
0x1d: {  	(v2sf) =	vpush @!p1 v2, $0x0;
	_ =	sdelay $0xd  }
0x1e: {  	s26 =	spop @!p1 (v2sf)  }
0x1f: {  	s28 =	spop @!p1 (v2sf)  }
0x20: {  	p2 =	sne.s32 @!p1 s24, s26;
	p3 =	slt.s32 @!p1 s28, $0xF  }
0x21: {  	[sflag:s25] =	ssyncset.done @!p1 $0x0;
	p2 =	por p2, p1;
	p3 =	por !p3, p1  }
0x22: {  	[sflag:s25] =	ssyncadd.s32 @!p1 $0xFFFFFFFF;
	v2 =	vimm.s32 @!p2 $0xFFFFFFFF;
	s28 =	simm.s32 @p3 $0xF  }
0x23: {  	[tilespmem:$0x80] =	vst @!p2 v2;
	s24 =	sadd.s32 @!p1 $0x90, s28  }
0x24: {  	[spmem:s8] =	stream.linear.scatter @!p1 [tilespmem:s24], [sflag:$0x1], $0x1, $0x38;
	[tilespmem:$0x12120] =	vst v63  }
0x25: {  	_ =	swait.ge @!p1 [sflag:s25], $0x1  }
0x26: {  	[sflag:s25] =	ssyncset.done @!p1 $0x0  }
0x27: {  	s24 =	simm.s32 @!p1 $0x80;
	[sflag:s25] =	ssyncadd.s32 @!p1 $0xFFFFFFFF  }
0x28: {  	[spmem:s12] =	stream.linear.scatter @!p1 [tilespmem:s24], [sflag:$0x1], $0x1, $0x38;
	[tilespmem:$0x12120] =	vst v63  }
0x29: {  	_ =	swait.ge @!p1 [sflag:s25], $0x1  }
0x2a: {  	[sflag:s25] =	ssyncset.done @!p1 $0x0  }
0x2b: {  	[sflag:s25] =	ssyncadd.s32 @!p1 $0xFFFFFFFF;
	(ifvalue) =	ssetifvalue $0xFFFFFFFF;
	v2 =	vld [tilespmem:s22+$0x10];
	_ =	sdelay $0x6  }
0x2c: {  	(ifvalue) =	ssetifvalue $0xFFFFFFFF  }
0x2d: {  	[hbm4b:s1+s13] =	stream.indirect_vreg.scatter [tilespmem:s23], [sflag:$0x9], $0x1, v2, vm0, $0x4038;
	[tilespmem:$0x12120] =	vst v63  }
.LBB2_9:
0x2e: {  	p1 =	slt.u32 s20, $0x3  }
0x2f: {  	s22 =	simm.s32 @!p1 $0x2  }
0x30: {  	_ =	swait.ge @!p1 [sflag:s22], $0x2000  }
0x31: {  	[sflag:s22] =	ssyncset.done @!p1 $0x0  }
0x32: {  	[sflag:s22] =	ssyncadd.s32 @!p1 $0xFFFFE000;
	s22 =	simm.s32 @!p1 $0x9  }
0x33: {  	_ =	swait.ge @!p1 [sflag:s22], $0x10  }
0x34: {  	s20 =	sadd.s32 $0x1, s20;
	[sflag:s22] =	ssyncset.done @!p1 $0x0  }
0x35: {  	[sflag:s22] =	ssyncadd.s32 @!p1 $0xFFFFFFF0;
	p1 =	sne.s32 s20, $0x23  }
.Ltmp1:
0x36: {  	_ = 	snop;
	(pc) =	sbr.rel @!p1 .LBB2_10-.Ltmp1, $4  }
0x37: {  	s23 =	sadd.s32 $0x2000, s21;
	s24 =	smov.u32 s6  }
0x38: {  	s14 =	sadd.s32 $0x2000, s14;
	s15 =	sadd.s32 $0x1, s15;
	p2 =	slt.s32 s23, s9  }
0x39: {  	p0 =	por !p0, !p0;
	s16 =	sadd.s32 $0x2000, s16;
	s24 =	smov.u32 @p2 s23  }
0x3a: {  	s17 =	sadd.s32 $0x1, s17;
	s22 =	smov.u32 s21;
	s21 =	smov.u32 s24  }
.LBB2_1:
0x3b: {  	p1 =	sgt.u32 s20, $0x1F  }
0x3c: {  	s23 =	smul.u32 @!p1 $0xAB, s20;
	_ =	sdelay $0x1  }
0x3d: {  	s23 =	sshrl.u32 @!p1 s23, $0x9  }
0x3e: {  	s23 =	sand.u32 @!p1 $0x7F, s23  }
0x3f: {  	s23 =	smul.u32 @!p1 $0x3, s23;
	_ =	sdelay $0x1  }
0x40: {  	s23 =	ssub.s32 @!p1 s20, s23  }
0x41: {  	s23 =	sand.u32 @!p1 $0xFF, s23  }
0x42: {  	s24 =	sshrl.u32 @!p1 s21, $0x3;
	s23 =	sshll.u32 @!p1 s23, $0xD  }
0x43: {  	s25 =	sand.u32 @!p1 $0x7, s21;
	s24 =	sadd.s32 @!p1 s2, s24;
	s23 =	sor.u32 @!p1 $0x100, s23  }
0x44: {  	[tilespmem:s23], [sflag:$0x7] =	stream.linear.gather @!p1 [hbm4b:s24+s25], $0x2000, $0x38;
	[tilespmem:$0x12120] =	vst v63  }
0x45: {  	s24 =	sadd.s32 $0xFFFFFFFF, s20  }
0x46: {  	p1 =	sgt.u32 s24, $0x1F  }
.Ltmp2:
0x47: {  	_ = 	snop;
	(pc) =	sbr.rel @p1 .LBB2_5-.Ltmp2, $1  }
0x48: {  	_ =	sdelay $0x3  }
0x49: {  	s23 =	smul.u32 $0xAB, s24;
	_ =	sdelay $0x1  }
0x4a: {  	s23 =	sshrl.u32 s23, $0x9  }
0x4b: {  	s23 =	sand.u32 $0x7F, s23  }
0x4c: {  	s23 =	smul.u32 $0x3, s23;
	_ =	sdelay $0x1  }
0x4d: {  	s23 =	ssub.s32 s24, s23  }
0x4e: {  	s23 =	sand.u32 $0xFF, s23  }
0x4f: {  	_ =	swait.ge [sflag:s5], $0x2000;
	s23 =	sshll.u32 s23, $0xD  }
0x50: {  	[sflag:s5] =	ssyncset.done $0x0;
	s23 =	sor.u32 $0x100, s23  }
0x51: {  	[sflag:s5] =	ssyncadd.s32 $0xFFFFE000;
	(ifvalue) =	ssetifvalue $0xFFFFFFFF;
	v2 =	vld.msk [tilespmem:s23+$0x0 ss:$0x1], $0xffff;
	_ =	sdelay $0x1  }
0x52: {  	s28 =	sand.u32 $0xFF, s15  }
0x53: {  	p1 =	sne.s32 s20, $0x1;
	s25 =	smulhi.u32 $0x55555556, s28  }
0x54: {  	v3 =	vimm.s32 @!p1 $0x0  }
0x55: {  	s25 =	smul.u32 $0x18000, s25;
	v3 =	vperm.xlane @!p1 v2, v3  }
0x56: {  	s26 =	sshll.u32 s20, $0x4;
	s23 =	sshll.u32 s28, $0xF;
	vm4 =	vlt.u32 v2, $0x400000  }
0x57: {  	s29 =	sand.u32 $0x10, s26;
	s23 =	ssub.s32 s23, s25;
	v2 =	vnsel vm4, $0xFFFFFFFE, v2;
	vm4 =	vlt.u32 @!p1 v3, $0x400000  }
0x58: {  	s23 =	sshra.s32 s23, $0x2;
	[tilespmem:s29+$0x60] =	vst v2;
	v2 =	vnsel @!p1 vm4, $0xFFFFFFFE, v3  }
0x59: {  	s28 =	sadd.s32 $0x20F0, s23;
	[tilespmem:$0x80] =	vst @!p1 v2  }
0x5a: {  	v2 =	vld.msk [tilespmem:s28+$0x0 ss:$0x1], $0xffff;
	_ =	sdelay $0x4  }
0x5b: {  	(xrf1) =	vunique.msk.u32 $0xffff, v2;
	_ =	sdelay $0xd  }
0x5c: {  	v3 =	vimm.s32 $0xFFFFFFFF;
	v4, _, _ =	vpop (xrf1)  }
0x5d: {  	vm5 =	vne.s32 v2, v3;
	vm4 =	veq.s32 v4, v1  }
0x5e: {  	vm6 =	vlt.u32 v2, $0x400000;
	vm4 =	vmand vm5, vm4  }
0x5f: {  	vm4 =	vmand vm6, vm4  }
0x60: {  	v3 =	vnsel vm4, $0xFFFFFFFF, v2;
	_ =	sdelay $0x2  }
0x61: {  	s30 =	sand.u32 $0x2000, s14  }
0x62: {  	s31 =	sshll.u32 s24, $0xD;
	s23 =	sor.u32 $0x80F0, s30;
	(ifvalue) =	ssetifvalue $0xFFFFFFFF  }
0x63: {  	v2 =	vperm.xlane v2, v0;
	[tilespmem:s23], [sflag:$0x8] =	stream.indirect_vreg.gather [hbm4b:s1+s13], $0x1, v3, vm0, $0x4038;
	v3 =	vnsel vm6, $0xFFFFFFFE, v3;
	[tilespmem:$0x12120] =	vst v63  }
0x64: {  	s24 =	sand.u32 $0x2000, s31;
	s25 =	simm.s32 $0x0;
	s26 =	sadd.s32 $0xFFFFFFF0, s28;
	[tilespmem:s28+$0x0] =	vst v3  }
.LBB2_3:
0x65: {  	v3 =	vld.msk [tilespmem:s26+$0x0 ss:$0x1], $0xffff;
	s25 =	sadd.s32 $0x10, s25;
	v4 =	vmov v2;
	s28 =	smov.u32 s26  }
0x66: {  	p1 =	slt.u32 s25, $0x1FF0;
	_ =	sdelay $0x4  }
0x67: {  	v2 =	vperm.xlane v3, v0;
	(xrf1) =	vunique.msk.u32 $0xffff, v3;
	_ =	sdelay $0xd  }
0x68: {  	v5, _, _ =	vpop (xrf1)  }
0x69: {  	vm5 =	vne.s32 v3, v4;
	vm4 =	veq.s32 v5, v1  }
0x6a: {  	vm6 =	vlt.u32 v3, $0x400000;
	vm4 =	vmand vm5, vm4  }
0x6b: {  	vm4 =	vmand vm6, vm4  }
0x6c: {  	v3 =	vnsel vm4, $0xFFFFFFFF, v3  }
.Ltmp3:
0x6d: {  	v4 =	vnsel vm6, $0xFFFFFFFE, v3;
	(pc) =	sbr.rel @p1 .LBB2_3-.Ltmp3, $3  }
0x6e: {  	_ =	sdelay $0x1  }
0x6f: {  	s26 =	sadd.s32 $0xFFFFFFF0, s26;
	s23 =	sadd.s32 $0xFFFFFFF0, s23;
	(ifvalue) =	ssetifvalue $0xFFFFFFFF  }
0x70: {  	[tilespmem:s23], [sflag:$0x8] =	stream.indirect_vreg.gather [hbm4b:s1+s13], $0x1, v3, vm0, $0x4038;
	[tilespmem:s28+$0x0] =	vst v4  }
0x71: {  	s22 =	sshrl.u32 s22, $0x3  }
0x72: {  	s23 =	sadd.s32 $0xA100, s24;
	s22 =	sadd.s32 s4, s22  }
0x73: {  	[tilespmem:s23], [sflag:$0x8] =	stream.linear.gather [hbm:s22], $0x2000, $0x38;
	[tilespmem:$0x12120] =	vst v63  }
.LBB2_5:
0x74: {  	p1 =	slt.u32 s20, $0x2  }
0x75: {  	p2 =	seq.s32 @!p1 s20, $0x22  }
0x76: {  	p1 =	por p1, p2  }
.Ltmp4:
0x77: {  	_ = 	snop;
	(pc) =	sbr.rel @p1 .LBB2_9-.Ltmp4, $1  }
0x78: {  	_ =	sdelay $0x3  }
0x79: {  	s22 =	sadd.s32 $0xFFFFFFFE, s20  }
0x7a: {  	s23 =	smulhi.u32 $0xAAAAAAAB, s22;
	_ =	sdelay $0x1  }
0x7b: {  	s23 =	sshrl.u32 s23, $0x1  }
0x7c: {  	s23 =	smul.u32 $0x3, s23;
	_ =	sdelay $0x1  }
0x7d: {  	_ =	swait.ge [sflag:s7], $0x4000;
	s22 =	ssub.s32 s22, s23  }
0x7e: {  	p1 =	sne.s32 s20, $0x21;
	[sflag:s7] =	ssyncset.done $0x0;
	s26 =	sshll.u32 s22, $0xD  }
0x7f: {  	[sflag:s7] =	ssyncadd.s32 $0xFFFFC000;
	s22 =	sadd.s32 @!p1 $0x20FF, s26  }
0x80: {  	[spmem:s10] =	stream.linear.scatter @!p1 [tilespmem:s22], [sflag:$0x1], $0x1, $0x38;
	[tilespmem:$0x12120] =	vst v63  }
0x81: {  	s22 =	simm.s32 @!p1 $0x1  }
0x82: {  	_ =	swait.ge @!p1 [sflag:s22], $0x1  }
0x83: {  	s25 =	sshll.u32 s20, $0x4;
	[sflag:s22] =	ssyncset.done @!p1 $0x0  }
0x84: {  	[sflag:s22] =	ssyncadd.s32 @!p1 $0xFFFFFFFF;
	s22 =	sand.u32 $0x10, s25  }
0x85: {  	v3 =	vld [tilespmem:s22+$0x10];
	s28 =	sxor.u32 $0x10, s22  }
0x86: {  	v4 =	vld [tilespmem:s28+$0x60]  }
0x87: {  	v2 =	vld [tilespmem:$0x80];
	_ =	sdelay $0x2  }
0x88: {  	(v2sf) =	vpush v3, $0x0  }
0x89: {  	(v2sf) =	vpush v4, $0x0  }
0x8a: {  	(v2sf) =	vpush v2, $0x0;
	_ =	sdelay $0xc  }
0x8b: {  	s23 =	spop (v2sf)  }
0x8c: {  	s25 =	spop (v2sf)  }
0x8d: {  	s24 =	spop (v2sf)  }
0x8e: {  	p2 =	seq.s32 s23, s25;
	p3 =	seq.s32 s24, s23  }
0x8f: {  	p3 =	por p2, p3  }
0x90: {  	v3 =	vpsel p3, $0xFFFFFFFF, v3  }
0x91: {  	s23 =	sand.u32 $0x1, s20;
	[tilespmem:s22+$0x10] =	vst.msk $0x1, v3  }
0x92: {  	s25 =	sshll.u32 s23, $0xD;
	v3 =	vld [tilespmem:$0x30]  }
0x93: {  	v4 =	vld [tilespmem:s25+$0xA100]  }
0x94: {  	v5 =	vld [tilespmem:s22+$0x40];
	_ =	sdelay $0x2  }
0x95: {  	vm4 =	vmmov vm1  }
0x96: {  	vm5 =	vmmov vm2;
	vm4 =	vmmov @p2 vm2;
	s23 =	sshll.u32 s23, $0x4;
	v4 =	vadd.s32 v3, v4  }
0x97: {  	vm5 =	vmmov @p3 vm1;
	s23 =	sor.u32 $0x12100, s23;
	v3 =	vadd.s32 v3, v5;
	[tilespmem:s25+$0xA100] =	vst.msk vm4, v4  }
0x98: {  	[tilespmem:s23+$0x0] =	vst.msk vm5, v3  }
0x99: {  	v3 =	vld [tilespmem:s25+$0x80F0];
	_ =	sdelay $0x3  }
0x9a: {  	v4 =	vimm.s32 $0x0  }
0x9b: {  	v3 =	vshift.insert v3, v4, s18  }
0x9c: {  	s29 =	sor.u32 $0x40, s28  }
0x9d: {  	[tilespmem:s29+$0x0] =	vst.msk $0x1, v3  }
0x9e: {  	[tilespmem:s25+$0x80FF] =	vst.msk $0x1, v4  }
0x9f: {  	v3 =	vld [tilespmem:s26+$0x20F0]  }
0xa0: {  	s26 =	smulhi.u32 $0xAAAAAAAB, s17;
	_ =	sdelay $0x1  }
0xa1: {  	s26 =	sshrl.u32 s26, $0x1  }
0xa2: {  	s26 =	smul.u32 $0xFFFE8000, s26  }
0xa3: {  	s29 =	simm.s32 $0x1;
	v3 =	vshift.insert v3, v4, s18  }
0xa4: {  	s29 =	simm.s32 @!p0 $0x0;
	s26 =	sshra.s32 s26, $0x2  }
0xa5: {  	s29 =	sshll.u32 s29, $0xD;
	s31 =	sadd.s32 s26, s16;
	[tilespmem:s28+$0x10] =	vst.msk $0x1, v3  }
0xa6: {  	s26 =	sadd.s32 $0xA100, s29;
	v5 =	vld [tilespmem:s31+$0x0]  }
0xa7: {  	v6 =	vld [tilespmem:s26+$0x0];
	_ =	sdelay $0x4  }
0xa8: {  	vm4 =	vne.s32 v5, $0xFFFFFFFF;
	v6 =	vadd.s32 v4, v6;
	v4 =	vperm.xlane v3, v4  }
0xa9: {  	s28 =	sadd.s32 $0x6100, s29;
	(xrf0) =	vadd.seg.scan.s32 vm4, v6  }
0xaa: {  	vm5 =	veq.s32 v5, v2;
	v6 =	vld [tilespmem:s28+$0x0];
	vm6 =	veq.s32 v5, v4  }
0xab: {  	vm7 =	vgt.u32 v5, $0xFFFFFFFD;
	vm6 =	vmor vm6, vm5  }
0xac: {  	v7 =	vld [tilespmem:$0xA0];
	vm6 =	vmor vm6, vm7  }
0xad: {  	v9 =	vld [tilespmem:$0x90];
	v5 =	vsel vm6, $0xFFFFFFFF, v5;
	_ =	sdelay $0x1  }
0xae: {  	v6 =	vsel vm5, $0x0, v6;
	v8, _, _ =	vpop (xrf0)  }
0xaf: {  	s29 =	sadd.s32 $0xE100, s29;
	vm4 =	vmand vm4, vm3;
	v6 =	vadd.s32 v6, v8  }
0xb0: {  	s30 =	simm.s32 $0x0;
	s31 =	sadd.s32 $0x10, s31;
	vm6 =	veq.s32 v7, $0x1;
	[tilespmem:s29+$0x0] =	vst v6;
	(ifvalue) =	ssetifvalue $0xFFFFFFFF;
	v6 =	vsel vm4, $0x0, v8  }
0xb1: {  	vm4 =	vmor vm6, vm5;
	[hbm4b:s1+s13] =	stream.indirect_vreg.scatter [tilespmem:s29], [sflag:$0x2], $0x1, v5, vm0, $0x4038;
	v5 =	vsel vm5, v8, v9;
	v6 =	vshift.insert v6, v0, s18;
	[tilespmem:$0x12120] =	vst v63  }
.LBB2_7:
0xb2: {  	v7 =	vld [tilespmem:s31+$0x0];
	s26 =	sadd.s32 $0x10, s26  }
0xb3: {  	s28 =	sadd.s32 $0x10, s28;
	v8 =	vld [tilespmem:s26+$0x0]  }
0xb4: {  	s30 =	sadd.s32 $0x10, s30;
	v9 =	vld [tilespmem:s28+$0x0]  }
0xb5: {  	p2 =	slt.u32 s30, $0x1FF0;
	_ =	sdelay $0x2  }
0xb6: {  	vm5 =	vne.s32 v7, $0xFFFFFFFF;
	v6 =	vadd.s32 v6, v8  }
0xb7: {  	vm6 =	vmand vm5, vm3;
	(xrf0) =	vadd.seg.scan.s32 vm5, v6  }
0xb8: {  	vm7 =	veq.s32 v7, v4;
	vm5 =	veq.s32 v7, v2  }
0xb9: {  	vm8 =	vgt.u32 v7, $0xFFFFFFFD;
	vm4 =	vmor vm4, vm5;
	vm7 =	vmor vm7, vm5  }
0xba: {  	vm7 =	vmor vm7, vm8  }
0xbb: {  	v7 =	vsel vm7, $0xFFFFFFFF, v7  }
.Ltmp5:
0xbc: {  	(pc) =	sbr.rel @p2 .LBB2_7-.Ltmp5, $4  }
0xbd: {  	v6 =	vsel vm5, $0x0, v9;
	v8, _, _ =	vpop (xrf0)  }
0xbe: {  	s29 =	sadd.s32 $0x10, s29;
	v5 =	vsel vm5, v8, v5;
	v6 =	vadd.s32 v6, v8;
	v8 =	vsel vm6, $0x0, v8  }
0xbf: {  	s31 =	sadd.s32 $0x10, s31;
	[tilespmem:s29+$0x0] =	vst v6;
	v6 =	vshift.insert v8, v0, s18;
	(ifvalue) =	ssetifvalue $0xFFFFFFFF  }
0xc0: {  	[hbm4b:s1+s13] =	stream.indirect_vreg.scatter [tilespmem:s29], [sflag:$0x2], $0x1, v7, vm0, $0x4038;
	[tilespmem:$0x12120] =	vst v63  }
.Ltmp6:
0xc1: {  	_ = 	snop;
	(pc) =	sbr.rel .LBB2_8-.Ltmp6, $1  }
0xc2: {  	_ =	sdelay $0x3  }
.LBB2_10:
0xc3: {  	_ =	sfence.sel $0x180000  }
0xc4: {  	s2 =	simm.s32 $0x7;
	[bflag:$0x0] =	sbarrier.arrive $0xFFFF  }
0xc5: {  	s26 =	simm.s32 $0x8;
	[sflag:s2] =	ssyncpa.u1 $0x1  }
0xc6: {  	s28 =	simm.s32 $0x9;
	[sflag:s26] =	ssyncpa.u1 $0x1  }
0xc7: {  	[sflag:s28] =	ssyncpa.u1 $0x1  }
0xc8: {  	_ =	sfence.stream.spmem  }
0xc9: {  	s29 =	simm.s32 $0x3;
	[bflag:$0x0] =	sbarrier.arrive $0xFFFF  }
0xca: {  	s30 =	simm.s32 $0x4;
	[sflag:s29] =	ssyncpa.u1 $0x1  }
0xcb: {  	s31 =	simm.s32 $0x3C;
	[sflag:s30] =	ssyncpa.u1 $0x1  }
0xcc: {  	p0 =	sne.s32 s3, $0x0;
	[sflag:s31] =	ssyncpa.u1 $0x1  }
0xcd: {  	s0 =	simm.s32 @p0 $0x1;
	_ =	sfence @p0  }
0xce: {  	[sflag:s0] =	ssyncpa.u1 @p0 $0x1;
	s0 =	simm.s32 @p0 $0x2  }
0xcf: {  	[sflag:s0] =	ssyncpa.u1 @p0 $0x1  }
0xd0: {  	_ =	strace @p0 $0x9000004A  }
0xd1: {  	[bflag:$0x2] =	sbarrier.arrive @p0 $0xFFFF  }
0xd2: {  	_ =	shalt @p0  }
.LBB2_11:
0xd3: {  	_ =	sfence.stream.spmem;
	s4 =	simm.s32 $0x5  }
0xd4: {  	s2 =	simm.s32 $0x80;
	s3 =	simm.s32 $0xC0;
	[sflag:s4] =	ssyncpa.u1 $0x0  }
0xd5: {  	[tilespmem:s3], [sflag:$0x5] =	stream.linear.gather [spmem:s2], $0x20, $0x38;
	[tilespmem:$0x12120] =	vst v63  }
0xd6: {  	s2 =	simm.s32 $0x0;
	s3 =	simm.s32 $0xE0  }
0xd7: {  	[tilespmem:s3], [sflag:$0x5] =	stream.linear.gather [spmem:s2], $0x20, $0x38;
	[tilespmem:$0x12120] =	vst v63  }
.Ltmp7:
0xd8: {  	_ = 	snop;
	(pc) =	sbr.rel .LBB2_12-.Ltmp7, $4  }
0xd9: {  	_ =	swait.ge [sflag:s4], $0x40  }
0xda: {  	[sflag:s4] =	ssyncset.done $0x0  }
0xdb: {  	s31 =	simm.s32 $0x6;
	[sflag:s4] =	ssyncadd.s32 $0xFFFFFFC0  }
0xdc: {  	s4 =	simm.s32 $0x0;
	[sflag:s31] =	ssyncpa.u1 $0x0  }
.LBB2_17:
0xdd: {  	p0 =	sgt.u32 s5, $0x3FFFFF  }
0xde: {  	s6 =	sshrl.u32 @!p0 s5, $0x3  }
0xdf: {  	s5 =	sand.u32 @!p0 $0x7, s5;
	s7 =	simm.s32 @!p0 $0xB0;
	s6 =	sadd.s32 @!p0 s1, s6  }
0xe0: {  	[tilespmem:s7], [sflag:$0x6] =	stream.linear.gather @!p0 [hbm4b:s6+s5], $0x1, $0x38;
	[tilespmem:$0x12120] =	vst v63  }
0xe1: {  	s5 =	simm.s32 @!p0 $0x6  }
0xe2: {  	_ =	swait.ge @!p0 [sflag:s5], $0x1  }
0xe3: {  	[sflag:s5] =	ssyncset.done @!p0 $0x0  }
0xe4: {  	[sflag:s5] =	ssyncadd.s32 @!p0 $0xFFFFFFFF  }
0xe5: {  	v2 =	vmov @!p0 s4;
	v1 =	vld.msk @!p0 [tilespmem:$0xB0], $0x1;
	_ =	sdelay $0x3  }
0xe6: {  	s5 =	simm.s32 @!p0 $0xE0  }
0xe7: {  	[tilespmem:v2+s5+$0x0], v1 =	vst.idx.ret.add.s32.msk @!p0 $0x1, v1  }
0xe8: {  	[tilespmem:s2+$0xC0] =	vst.msk $0x1, v0  }
0xe9: {  	v0 =	vld.msk [tilespmem:s4+$0xE0], $0x1;
	_ =	sdelay $0x4  }
0xea: {  	[tilespmem:s2+$0xE0] =	vst.msk $0x1, v0;
	s2 =	sadd.s32 $0x1, s2  }
.LBB2_19:
0xeb: {  	s4 =	sadd.s32 $0x1, s4  }
0xec: {  	p0 =	sne.s32 s4, $0x20  }
.Ltmp8:
0xed: {  	_ = 	snop;
	(pc) =	sbr.rel @!p0 .LBB2_20-.Ltmp8, $1  }
0xee: {  	_ =	sdelay $0x3  }
.LBB2_12:
0xef: {  	v0 =	vld.msk [tilespmem:s4+$0xC0], $0x1;
	_ =	sdelay $0x4  }
0xf0: {  	(v2sf) =	vpush v0, $0x0;
	_ =	sdelay $0xe  }
0xf1: {  	s5 =	spop (v2sf)  }
0xf2: {  	p0 =	seq.s32 s5, $0xFFFFFFFF  }
.Ltmp9:
0xf3: {  	_ = 	snop;
	(pc) =	sbr.rel @p0 .LBB2_19-.Ltmp9, $1  }
0xf4: {  	_ =	sdelay $0x3  }
0xf5: {  	p0 =	slt.s32 s2, $0x1  }
.Ltmp10:
0xf6: {  	_ = 	snop;
	(pc) =	sbr.rel @p0 .LBB2_17-.Ltmp10, $1  }
0xf7: {  	_ =	sdelay $0x3  }
0xf8: {  	s6 =	simm.s32 $0xC0;
	p0 =	por $0x0, $0x0  }
0xf9: {  	v1 =	vld.msk @!p0 [tilespmem:s6+$0x0], $0x1;
	_ =	sdelay $0x4  }
0xfa: {  	(v2sf) =	vpush @!p0 v1, $0x0;
	_ =	sdelay $0xd  }
0xfb: {  	p2 =	sne.s32 s2, $0x1  }
.Ltmp11:
0xfc: {  	s7 =	spop @!p0 (v2sf);
	(pc) =	sbr.rel @!p2 .LBB2_16-.Ltmp11, $4  }
0xfd: {  	p1 =	seq.s32 @!p0 s5, s7  }
0xfe: {  	s7 =	simm.s32 $0x0;
	p1 =	por !p1, p0  }
0xff: {  	s9 =	simm.s32 $0xFFFFFFFF;
	s7 =	simm.s32 @p1 $0xFFFFFFFF  }
0x100: {  	s8 =	simm.s32 $0x1;
	s7 =	smov.u32 @p0 s9  }
.LBB2_15:
0x101: {  	s9 =	smov.u32 s7;
	p0 =	sne.s32 s7, $0xFFFFFFFF  }
0x102: {  	s6 =	sadd.s32 $0x1, s6;
	s7 =	smov.u32 s8;
	s8 =	sadd.s32 $0x1, s8  }
0x103: {  	p1 =	sne.s32 s2, s8;
	v1 =	vld.msk @!p0 [tilespmem:s6+$0x0], $0x1;
	_ =	sdelay $0x4  }
0x104: {  	(v2sf) =	vpush @!p0 v1, $0x0;
	_ =	sdelay $0xe  }
.Ltmp12:
0x105: {  	s10 =	spop @!p0 (v2sf);
	(pc) =	sbr.rel @p1 .LBB2_15-.Ltmp12, $4  }
0x106: {  	p2 =	seq.s32 @!p0 s5, s10  }
0x107: {  	p2 =	por !p2, p0  }
0x108: {  	s7 =	simm.s32 @p2 $0xFFFFFFFF  }
0x109: {  	s7 =	smov.u32 @p0 s9  }
.LBB2_16:
0x10a: {  	p0 =	sne.s32 s7, $0xFFFFFFFF  }
.Ltmp13:
0x10b: {  	_ = 	snop;
	(pc) =	sbr.rel @!p0 .LBB2_17-.Ltmp13, $1  }
0x10c: {  	_ =	sdelay $0x3  }
0x10d: {  	v0 =	vld.msk [tilespmem:s4+$0xE0], $0x1;
	v1 =	vmov s7  }
.Ltmp14:
0x10e: {  	_ = 	snop;
	(pc) =	sbr.rel .LBB2_19-.Ltmp14, $2  }
0x10f: {  	_ =	sdelay $0x2  }
0x110: {  	[tilespmem:v1+s3+$0x0], v0 =	vst.idx.ret.add.s32.msk $0x1, v0  }
.LBB2_20:
0x111: {  	p0 =	slt.s32 s2, $0x1  }
.Ltmp15:
0x112: {  	_ = 	snop;
	(pc) =	sbr.rel @p0 .LBB2_24-.Ltmp15, $3  }
0x113: {  	_ =	sdelay $0x1  }
0x114: {  	s3 =	simm.s32 $0x6  }
0x115: {  	[sflag:s3] =	ssyncpa.u1 $0x1;
	s3 =	simm.s32 $0x0  }
0x116: {  	s4 =	simm.s32 $0xC0  }
0x117: {  	v0 =	vld.msk [tilespmem:s4+$0x0], $0x1;
	_ =	sdelay $0x4  }
0x118: {  	(v2sf) =	vpush v0, $0x0;
	_ =	sdelay $0xe  }
0x119: {  	s2 =	sadd.s32 $0xFFFFFFFF, s2;
	s5 =	spop (v2sf)  }
0x11a: {  	p1 =	sne.s32 s2, $0x0;
	p0 =	sgt.u32 s5, $0x3FFFFF  }
.Ltmp16:
0x11b: {  	s6 =	sshrl.u32 @!p0 s5, $0x3;
	(pc) =	sbr.rel @!p1 .LBB2_23-.Ltmp16, $4  }
0x11c: {  	s4 =	simm.s32 $0xE0;
	s5 =	sand.u32 @!p0 $0x7, s5;
	s6 =	sadd.s32 @!p0 s1, s6  }
0x11d: {  	[hbm4b:s6+s5] =	stream.linear.scatter @!p0 [tilespmem:s4], [sflag:$0x5], $0x1, $0x38;
	[tilespmem:$0x12120] =	vst v63  }
0x11e: {  	s6 =	simm.s32 $0x0  }
0x11f: {  	s5 =	simm.s32 $0xC1;
	s6 =	simm.s32 @!p0 $0x4  }
.LBB2_22:
0x120: {  	v0 =	vld.msk [tilespmem:s5+$0x0], $0x1;
	s2 =	sadd.s32 $0xFFFFFFFF, s2;
	s3 =	sadd.s32 s3, s6  }
0x121: {  	p0 =	sne.s32 s2, $0x0;
	_ =	sdelay $0x3  }
0x122: {  	(v2sf) =	vpush v0, $0x0;
	_ =	sdelay $0xe  }
.Ltmp17:
0x123: {  	s7 =	spop (v2sf);
	(pc) =	sbr.rel @p0 .LBB2_22-.Ltmp17, $4  }
0x124: {  	s6 =	simm.s32 $0x0;
	p1 =	sgt.u32 s7, $0x3FFFFF  }
0x125: {  	s4 =	sadd.s32 $0x1, s4;
	s6 =	simm.s32 @!p1 $0x4;
	s8 =	sshrl.u32 @!p1 s7, $0x3  }
0x126: {  	s5 =	sadd.s32 $0x1, s5;
	s7 =	sand.u32 @!p1 $0x7, s7;
	s8 =	sadd.s32 @!p1 s1, s8  }
0x127: {  	[hbm4b:s8+s7] =	stream.linear.scatter @!p1 [tilespmem:s4], [sflag:$0x5], $0x1, $0x38;
	[tilespmem:$0x12120] =	vst v63  }
.LBB2_23:
0x128: {  	s1 =	sadd.s32 s3, s6  }
0x129: {  	s3 =	sshrl.u32 s1, $0x2  }
.LBB2_24:
0x12a: {  	s1 =	simm.s32 $0x5  }
0x12b: {  	_ =	swait.ge [sflag:s1], s3  }
0x12c: {  	s2 =	ssub.s32 $0x0, s3;
	[sflag:s1] =	ssyncset.done $0x0  }
0x12d: {  	[sflag:s1] =	ssyncadd.s32 s2  }
0x12e: {  	[sflag:s1] =	ssyncpa.u1 $0x1  }
0x12f: {  	s30 =	simm.s32 $0x1;
	_ =	sfence  }
0x130: {  	s31 =	simm.s32 $0x2;
	[sflag:s30] =	ssyncpa.u1 $0x1  }
0x131: {  	[sflag:s31] =	ssyncpa.u1 $0x1  }
0x132: {  	_ =	strace $0x9000004A  }
0x133: {  	s0 =	sadd.s32 $0x100000, s0;
	[bflag:$0x2] =	sbarrier.arrive $0xFFFF  }
0x134: {  	[sflag:s0] =	ssyncadd.tile.s32 $0x1;
	_ =	shalt  }
.Lfunc_end2:
_tile_overlayer_lowered:
.L_overlay_start_2:
0x135: {  	(tag) =	ssettag $0x2  }
0x136: {  	s0 =	rddreg [dreg:$0x0];
	s2 =	stileid.u32  }
0x137: {  	s1 =	rddreg [dreg:$0x1];
	p0 =	sne.s32 s2, $0x0  }
0x138: {  	s3 =	rddreg [dreg:$0x2];
	[bflag:$0x3] =	sbarrier.arrive $0xFFFF;
	s2 =	simm.s32 @!p0 $0x1C01  }
0x139: {  	[timem:s3], [sflag:s2] =	dma.local @!p0 [hbm:s0], s1  }
0x13a: {  	s0 =	simm.s32 @!p0 $0x1  }
0x13b: {  	_ =	swait.ge @!p0 [sflag:s0], s1  }
0x13c: {  	s1 =	ssub.s32 @!p0 $0x0, s1;
	[sflag:s0] =	ssyncset.done @!p0 $0x0  }
0x13d: {  	[sflag:s0] =	ssyncadd.s32 @!p0 s1  }
0x13e: {  	[bflag:$0x3] =	sbarrier.arrive $0xFFFF  }
0x13f: {  	_ =	shalt  }

// kernel: sparse-core-data-format-call.1.cloned.1.call-start
scs
called_computation.2_lowered:
.L_overlay_start_0:
0x0: {  	s1 =	sld [smem:$0x3FD9]  }
0x1: {  	s2 =	sld [smem:$0x3FFE];
	_ =	sdelay $0x1  }
0x2: {  	s3 =	srdreg.scid  }
0x3: {  	s0 =	sand.u32 $0x1, s3  }
0x4: {  	s17 =	sshll.u32 s0, $0xA;
	s1 =	sadd.s32 s2, s1  }
0x5: {  	s1 =	sadd.s32 s1, s17  }
0x6: {  	[smem:$0x3FC7] =	sst s1  }
0x7: {  	_ = 	snop  }
0x8: {  	(tm) =	ssettm $0x1  }
0x9: {  	s18 =	sld [smem:$0x3FFB];
	_ =	sdelay $0x3  }
0xa: {  	_ =	strace s18  }
0xb: {  	s1 =	sld [smem:$0x3FFC];
	_ =	sdelay $0x3  }
0xc: {  	_ =	strace s1  }
0xd: {  	s1 =	sld [smem:$0x3FFD];
	_ =	sdelay $0x3  }
0xe: {  	_ =	strace s1  }
0xf: {  	_ =	strace $0x8FFFFFFF  }
0x10: {  	s19 =	sld [smem:$0x3FDB];
	_ =	sdelay $0x1  }
0x11: {  	s20 =	simm.s32 $_scs_section_size  }
0x12: {  	s4 =	simm.s32 $_size__tile_overlayer_lowered;
	s5 =	simm.s32 $_tile_overlayer_lowered  }
0x13: {  	s23 =	simm.s32 $0x1BFF;
	s22 =	sshll.u32 s5, $0x1;
	s1 =	sadd.s32 s20, s19  }
0x14: {  	s6 =	simm.s32 $0x0;
	s21 =	sshll.u32 s4, $0x1;
	s4 =	sadd.s32 s22, s1  }
0x15: {  	[timem:s6], [sflag:s23] =	dma.local [hbm:s4], s21  }
0x16: {  	_ =	swait.ge [sflag:s23], s21  }
0x17: {  	s2 =	ssub.s32 $0x0, s21;
	[sflag:s23] =	ssyncset.done $0x0  }
0x18: {  	[sflag:s23] =	ssyncadd.s32 s2;
	_ =	sdelay $0x1  }
0x19: {  	s24 =	simm.s32 $0x1B8B  }
0x1a: {  	_ =	swait.ge [sflag:s24], $0x1  }
0x1b: {  	[sflag:s24] =	ssyncset.done $0x0  }
0x1c: {  	s26 =	simm.s32 $0x1B8E;
	s25 =	sld [smem:$0x3FFE];
	[sflag:s24] =	ssyncadd.s32 $0xFFFFFFFF  }
0x1d: {  	s27 =	simm.s32 $execute0_lowered;
	[smem:$0x3FD2] =	sst s26  }
0x1e: {  	s4 =	sshll.u32 s27, $0x1;
	_ =	strace $0x80000046;
	[dreg:$0x1] =	wrdreg $0xFFFFFFFF  }
0x1f: {  	s28 =	simm.s32 $_size_execute0_lowered;
	s1 =	sadd.s32 s1, s4;
	[dreg:$0x0] =	wrdreg $0x0  }
0x20: {  	s4 =	sshll.u32 s28, $0x1;
	[dreg:$0x2] =	wrdreg s1  }
0x21: {  	[dreg:$0x3] =	wrdreg s4  }
0x22: {  	[dreg:$0x4] =	wrdreg $0xC0  }
0x23: {  	_ =	task [dreg:s6], $0x5FFFF  }
0x24: {  	[dreg:$0x1] =	wrdreg $0xFFFFFFFF  }
0x25: {  	[dreg:$0x0] =	wrdreg $0x60  }
0x26: {  	[dreg:$0x2] =	wrdreg s25  }
0x27: {  	[dreg:$0x3] =	wrdreg $0x9  }
0x28: {  	_ =	task.clear_ibuf [dreg:s6], $0x4FFFF;
	_ =	strace $0x90000046  }
0x29: {  	s29 =	simm.s32 $0x9;
	_ =	strace $0x80000048  }
0x2a: {  	_ =	swait.ge [sflag:s29], $0x1  }
0x2b: {  	[sflag:s29] =	ssyncadd.s32 $0xFFFFFFFF  }
0x2c: {  	_ =	strace $0x90000048  }
0x2d: {  	_ =	sfence  }
0x2e: {  	s30 =	sld [smem:$0x0];
	_ =	sdelay $0x2  }
0x2f: {  	s31 =	sshll.u32 s3, $0xD;
	s3 =	sshrl.u32 s3, $0x2  }
0x30: {  	s2 =	sand.u32 $0x4000, s31;
	s1 =	sadd.s32 s3, s30  }
0x31: {  	s0 =	sor.u32 s2, s0;
	s1 =	sshll.u32 s1, $0x11  }
0x32: {  	s0 =	sor.u32 s1, s0  }
0x33: {  	s0 =	sadd.s32 $0x8F2B, s0  }
0x34: {  	[sflag:s0] =	ssyncadd.remote.s32 $0x1  }
0x35: {  	_ =	sfence.sel $0xFFFF  }
0x36: {  	[dreg:$0x0] =	wrdreg $0xFFFFFFFF;
	(pc) =	sbr.abs _section_cstart, $3  }
0x37: {  	[dreg:$0x1] =	wrdreg $0xFFFFFFFF  }
0x38: {  	_ =	task.clear_ibuf [dreg:s6], $0x2FFFF;
	_ =	strace $0x9FFFFFFF  }
0x39: {  	(tm) =	ssettm $0x7FFFFFFF  }
tec
execute0_lowered:
.L_overlay_start_1:
0x0: {  	(tag) =	ssettag $0x1  }
0x1: {  	s1 =	rddreg [dreg:$0x0]  }
0x2: {  	s0 =	rddreg [dreg:$0x1];
	_ =	strace $0x80000047  }
0x3: {  	s4 =	srdreg.scid;
	s6 =	simm.s32 $0x2;
	s14 =	simm.s32 $0x0  }
0x4: {  	p0 =	por $0x0, $0x0;
	s15 =	simm.s32 $0x0;
	s16 =	simm.s32 $0x0  }
0x5: {  	s7 =	simm.s32 $0x0;
	s9 =	simm.s32 $0x0;
	s10 =	simm.s32 $0x0  }
.Ltmp0:
0x6: {  	s11 =	simm.s32 $0x0;
	s12 =	simm.s32 $0x0;
	(pc) =	sbr.rel .LBB1_1-.Ltmp0, $4  }
0x7: {  	s2 =	sadd.s32 $0x280200, s1;
	s3 =	sadd.s32 $0x8280200, s1;
	s4 =	sshll.u32 s4, $0x4  }
0x8: {  	s1 =	stileid.u32;
	s5 =	sand.u32 $0x10, s4;
	s4 =	simm.s32 $0x1  }
0x9: {  	s8 =	simm.s32 $0x0;
	s5 =	sor.u32 s1, s5;
	[sflag:s4] =	ssyncpa.u1 $0x0  }
0xa: {  	[sflag:s6] =	ssyncpa.u1 $0x0;
	s6 =	simm.s32 $0x1000;
	s13 =	smov.u32 s5  }
.LBB1_5:
0xb: {  	p1 =	slt.u32 s8, $0x2  }
0xc: {  	p2 =	sgt.s32 @!p1 s16, $0x7FF  }
0xd: {  	s17 =	smov.u32 s16;
	s18 =	sshra.s32 @!p1 s16, $0x1F;
	p2 =	por !p2, p1  }
0xe: {  	p3 =	sgt.s32 @!p1 s15, $0x1;
	s16 =	sand.u32 @!p1 s18, s16;
	s17 =	simm.s32 @p2 $0x7FF  }
0xf: {  	s19 =	sshra.s32 @!p1 s14, $0x1F;
	p3 =	por !p3, p1;
	s16 =	ssub.s32 @!p1 s17, s16  }
0x10: {  	s18 =	sshra.s32 @!p1 s15, $0x1F;
	s17 =	sadd.s32 @!p1 $0xFFFFF801, s16;
	s16 =	ssub.s32 @!p1 $0x800, s16  }
0x11: {  	p2 =	sgt.s32 @!p1 s17, $0x0;
	s17 =	smov.u32 s15;
	s15 =	sand.u32 @!p1 s18, s15  }
0x12: {  	s18 =	smov.u32 s14;
	s17 =	simm.s32 @p3 $0x1;
	p3 =	sgt.s32 @!p1 s14, $0x780  }
0x13: {  	p2 =	por !p2, p1;
	s15 =	sxor.u32 @!p1 $0xFFFFFFFF, s15;
	p3 =	por !p3, p1  }
0x14: {  	s14 =	sand.u32 @!p1 s19, s14;
	s15 =	sadd.s32 @!p1 s15, s17;
	s18 =	simm.s32 @p3 $0x780  }
0x15: {  	p3 =	sgt.s32 @!p1 s15, $0x0;
	s15 =	sshll.u32 @!p1 s15, $0x1;
	s14 =	ssub.s32 @!p1 s18, s14  }
0x16: {  	s15 =	ssub.s32 @!p1 $0x2, s15;
	p3 =	por !p3, p1;
	s17 =	sadd.s32 @!p1 $0xFFFFF880, s14  }
0x17: {  	s16 =	simm.s32 @!p2 $0x0;
	s15 =	simm.s32 @!p3 $0x0;
	p2 =	sgt.s32 @!p1 s17, $0x7F  }
0x18: {  	s14 =	ssub.s32 @!p1 $0x800, s14;
	s15 =	smul.u32 @!p1 s16, s15;
	p2 =	por !p2, p1  }
0x19: {  	s17 =	sadd.s32 $0x80, s11;
	s14 =	simm.s32 @!p2 $0x0  }
0x1a: {  	p2 =	sgt.s32 s17, $0x7FF;
	s14 =	smul.u32 @!p1 s14, s15;
	s15 =	simm.s32 $0x1  }
0x1b: {  	s15 =	simm.s32 @!p2 $0x0  }
0x1c: {  	s19 =	sadd.s32 s15, s12  }
0x1d: {  	s20 =	smov.u32 s13;
	s15 =	sadd.s32 $0x20, s13;
	p3 =	sgt.s32 s19, $0x1  }
0x1e: {  	s8 =	sadd.s32 $0x1, s8;
	p0 =	por !p0, !p0;
	s20 =	smov.u32 @p3 s15  }
0x1f: {  	s18 =	simm.s32 @!p1 $0x2;
	s17 =	simm.s32 @p2 $0x0;
	p2 =	sgt.s32 s20, $0x7FF  }
0x20: {  	s16 =	smov.u32 s10;
	s20 =	smov.u32 @p2 s5;
	p2 =	sne.s32 s8, $0x802  }
.Ltmp1:
0x21: {  	s10 =	smov.u32 s13;
	s14 =	sand.u32 @!p1 $0x3FFFFFFE, s14;
	(pc) =	sbr.rel @!p2 .LBB1_6-.Ltmp1, $4  }
0x22: {  	_ =	swait.ge @!p1 [sflag:s18], s14;
	s21 =	ssub.s32 @!p1 $0x0, s14;
	s14 =	smov.u32 s7  }
0x23: {  	s7 =	smov.u32 s11;
	s11 =	smov.u32 s17;
	[sflag:s18] =	ssyncset.done @!p1 $0x0  }
0x24: {  	s15 =	smov.u32 s9;
	s19 =	simm.s32 @p3 $0x0;
	s9 =	smov.u32 s12  }
0x25: {  	[sflag:s18] =	ssyncadd.s32 @!p1 s21;
	s12 =	smov.u32 s19;
	s13 =	smov.u32 s20  }
.LBB1_1:
0x26: {  	p1 =	sgt.u32 s8, $0x7FF  }
0x27: {  	s17 =	sxor.u32 @!p1 $0xFFFFFFFF, s8;
	s18 =	sshll.u32 @!p1 s13, $0x10;
	s19 =	sshll.u32 @!p1 s12, $0xF  }
0x28: {  	s20 =	sshll.u32 @!p1 s11, $0x4;
	s17 =	sshll.u32 @!p1 s17, $0xC;
	s18 =	sadd.s32 @!p1 s2, s18  }
0x29: {  	s20 =	sand.u32 @!p1 $0x7FF0, s20;
	s17 =	sand.u32 @!p1 $0x1000, s17;
	s18 =	sadd.s32 @!p1 s19, s18  }
0x2a: {  	s19 =	simm.s32 @!p1 $0x20;
	s18 =	sadd.s32 @!p1 s20, s18;
	s20 =	simm.s32 @!p1 $0x80  }
0x2b: {  	[tilespmem:s17], [sflag:$0x1] =	stream.strided.gather @!p1 [hbm4b:s18+s19], $0x1000, s20, s19, $0x38;
	[tilespmem:$0x4040] =	vst v63  }
0x2c: {  	p1 =	seq.s32 s8, $0x0  }
0x2d: {  	p2 =	seq.s32 @!p1 s8, $0x801  }
0x2e: {  	p1 =	por p1, p2  }
.Ltmp2:
0x2f: {  	_ = 	snop;
	(pc) =	sbr.rel @p1 .LBB1_5-.Ltmp2, $1  }
0x30: {  	_ =	sdelay $0x3  }
0x31: {  	s17 =	simm.s32 $0x1  }
0x32: {  	_ =	swait.ge [sflag:s4], $0x1000;
	s17 =	simm.s32 @!p0 $0x0  }
0x33: {  	[sflag:s4] =	ssyncset.done $0x0;
	s18 =	sshll.u32 s17, $0xC  }
0x34: {  	[sflag:s4] =	ssyncadd.s32 $0xFFFFF000;
	s21 =	sor.u32 $0x10, s18  }
0x35: {  	s17 =	smul.u32 $0x4080, s17;
	v1 =	vld [tilespmem:s21+$0x0]  }
0x36: {  	s30 =	sand.u32 $0x1, s8;
	v0 =	vld [tilespmem:s21+$0xFFFFFFF0]  }
0x37: {  	s18 =	smul.u32 $0x4080, s30;
	s17 =	sshrl.u32 s17, $0x2  }
0x38: {  	s19 =	sor.u32 $0x2000, s17  }
0x39: {  	s31 =	sshrl.u32 s18, $0x2;
	s18 =	sadd.s32 $0x0, s19  }
0x3a: {  	s20 =	simm.s32 $0x4;
	s21 =	sadd.s32 $0x20, s21;
	s17 =	sor.u32 $0x2000, s31;
	[tilespmem:s18+$0x810 ss:$0x81] =	vst.msk $0xffff, v1  }
.LBB1_3:
0x3b: {  	v1 =	vld [tilespmem:s21+$0x0];
	p1 =	sne.s32 s20, $0x1FC;
	[tilespmem:s18+$0x0 ss:$0x81] =	vst.msk $0xffff, v0;
	s18 =	smov.u32 s20;
	s20 =	sadd.s32 $0x4, s20  }
.Ltmp3:
0x3c: {  	v0 =	vld [tilespmem:s21+$0xFFFFFFF0];
	(pc) =	sbr.rel @p1 .LBB1_3-.Ltmp3, $4  }
0x3d: {  	_ = 	snop  }
0x3e: {  	s18 =	sshra.s32 s18, $0x2  }
0x3f: {  	s18 =	sadd.s32 s18, s19  }
0x40: {  	s21 =	sadd.s32 $0x20, s21;
	[tilespmem:s18+$0x810 ss:$0x81] =	vst.msk $0xffff, v1  }
0x41: {  	p1 =	sgt.s32 s10, $0x7FF;
	s19 =	smov.u32 s10;
	s20 =	sshra.s32 s10, $0x1F  }
0x42: {  	s30 =	sshll.u32 s7, $0x1;
	s22 =	sshra.s32 s9, $0x1F;
	p2 =	sgt.s32 s9, $0x1  }
0x43: {  	s23 =	smov.u32 s7;
	s31 =	sshra.s32 s7, $0x1F;
	s24 =	sand.u32 $0x78, s7  }
0x44: {  	s25 =	sshll.u32 s10, $0xA;
	s19 =	simm.s32 @!p1 $0x7FF;
	s20 =	sand.u32 s20, s10  }
0x45: {  	s26 =	sshll.u32 s9, $0x9;
	s27 =	sshrl.u32 s7, $0x2;
	s19 =	ssub.s32 s19, s20  }
0x46: {  	s28 =	sand.u32 $0x7, s7;
	s22 =	sand.u32 s22, s9;
	s21 =	sadd.s32 $0xFFFFF801, s19  }
0x47: {  	s22 =	sxor.u32 $0xFFFFFFFF, s22;
	p1 =	sgt.s32 s21, $0x0;
	s21 =	smov.u32 s9  }
0x48: {  	s20 =	sand.u32 $0x700, s30;
	s21 =	simm.s32 @!p2 $0x1;
	p2 =	sgt.s32 s7, $0x780  }
0x49: {  	s19 =	ssub.s32 $0x800, s19;
	s21 =	sadd.s32 s22, s21;
	s23 =	simm.s32 @!p2 $0x780  }
0x4a: {  	s22 =	sand.u32 s31, s7;
	p2 =	sgt.s32 s21, $0x0;
	s21 =	sshll.u32 s21, $0x1  }
0x4b: {  	s20 =	sor.u32 s24, s20;
	s22 =	ssub.s32 s23, s22;
	s21 =	ssub.s32 $0x2, s21  }
0x4c: {  	s19 =	simm.s32 @p1 $0x0;
	s23 =	sadd.s32 $0xFFFFF880, s22;
	s21 =	simm.s32 @p2 $0x0  }
0x4d: {  	s22 =	ssub.s32 $0x800, s22;
	p1 =	sgt.s32 s23, $0x7F;
	s19 =	smul.u32 s19, s21  }
.Ltmp4:
0x4e: {  	s22 =	simm.s32 @p1 $0x0;
	s21 =	sadd.s32 s3, s25;
	(pc) =	sbr.rel .LBB1_5-.Ltmp4, $4  }
0x4f: {  	s23 =	sand.u32 $0x100, s27;
	s21 =	sadd.s32 s26, s21;
	s19 =	smul.u32 s22, s19  }
0x50: {  	s20 =	sshrl.u32 s20, $0x3;
	s21 =	sadd.s32 s23, s21;
	s22 =	sshll.u32 s28, $0x12  }
0x51: {  	[tilespmem:s18+$0x0 ss:$0x81] =	vst.msk $0xffff, v0;
	s30 =	sadd.s32 s20, s21;
	s31 =	sor.u32 $0x100, s22;
	s29 =	sand.u32 $0x3FFFFFFE, s19  }
0x52: {  	[hbm4b:s30+s31] =	stream.strided.scatter [tilespmem:s17], [sflag:$0x2], s29, s6, s31, $0x20;
	[tilespmem:$0x4040] =	vst v63  }
.LBB1_6:
0x53: {  	_ =	sfence.sel $0x180000  }
0x54: {  	s2 =	simm.s32 $0x1;
	[bflag:$0x0] =	sbarrier.arrive $0xFFFF  }
0x55: {  	s31 =	simm.s32 $0x2;
	[sflag:s2] =	ssyncpa.u1 $0x1  }
0x56: {  	[sflag:s31] =	ssyncpa.u1 $0x1  }
0x57: {  	p0 =	sne.s32 s1, $0x0;
	_ =	strace $0x90000047  }
0x58: {  	s0 =	sadd.s32 @!p0 $0x100000, s0;
	[bflag:$0x2] =	sbarrier.arrive $0xFFFF  }
0x59: {  	[sflag:s0] =	ssyncadd.tile.s32 @!p0 $0x1;
	_ =	shalt  }
.Lfunc_end1:
_tile_overlayer_lowered:
.L_overlay_start_2:
0x5a: {  	(tag) =	ssettag $0x2  }
0x5b: {  	s0 =	rddreg [dreg:$0x0];
	s2 =	stileid.u32  }
0x5c: {  	s1 =	rddreg [dreg:$0x1];
	p0 =	sne.s32 s2, $0x0  }
0x5d: {  	s3 =	rddreg [dreg:$0x2];
	[bflag:$0x3] =	sbarrier.arrive $0xFFFF;
	s2 =	simm.s32 @!p0 $0x1C01  }
0x5e: {  	[timem:s3], [sflag:s2] =	dma.local @!p0 [hbm:s0], s1  }
0x5f: {  	s0 =	simm.s32 @!p0 $0x1  }
0x60: {  	_ =	swait.ge @!p0 [sflag:s0], s1  }
0x61: {  	s1 =	ssub.s32 @!p0 $0x0, s1;
	[sflag:s0] =	ssyncset.done @!p0 $0x0  }
0x62: {  	[sflag:s0] =	ssyncadd.s32 @!p0 s1  }
0x63: {  	[bflag:$0x3] =	sbarrier.arrive $0xFFFF  }
0x64: {  	_ =	shalt  }

// kernel: sparse-core-data-format-call.2.cloned.1.call-start
scs
called_computation.3_lowered:
.L_overlay_start_0:
0x0: {  	s2 =	sld [smem:$0x3FD9]  }
0x1: {  	s3 =	sld [smem:$0x3FFE];
	_ =	sdelay $0x1  }
0x2: {  	s1 =	srdreg.scid  }
0x3: {  	s0 =	sand.u32 $0x1, s1  }
0x4: {  	s16 =	sshll.u32 s0, $0xA;
	s2 =	sadd.s32 s3, s2  }
0x5: {  	s2 =	sadd.s32 s2, s16  }
0x6: {  	[smem:$0x3FC7] =	sst s2  }
0x7: {  	_ = 	snop  }
0x8: {  	s2 =	sld [smem:$0x3FD0];
	_ =	sdelay $0x2  }
0x9: {  	s4 =	simm.s32 $0xA;
	s5 =	simm.s32 $0x10;
	s17 =	sld [smem:$0x3FC9]  }
0xa: {  	[smem:s5], [sflag:s4] =	dma.local [hbm:s2], $0x1  }
0xb: {  	_ =	swait.eq [sflag:s4], $0x1  }
0xc: {  	[sflag:s4] =	ssyncset.done $0x0  }
0xd: {  	[sflag:s4] =	ssyncadd.s32 $0xFFFFFFFF  }
0xe: {  	s18 =	sld [smem:$0x12];
	(tm) =	ssettm $0x1  }
0xf: {  	s19 =	sld [smem:$0x3FFB];
	_ =	sdelay $0x3  }
0x10: {  	_ =	strace s19  }
0x11: {  	s4 =	sld [smem:$0x3FFC];
	_ =	sdelay $0x3  }
0x12: {  	_ =	strace s4  }
0x13: {  	s4 =	sld [smem:$0x3FFD];
	_ =	sdelay $0x3  }
0x14: {  	_ =	strace s4  }
0x15: {  	_ =	strace $0x8FFFFFFF  }
0x16: {  	s20 =	sld [smem:$0x3FDB];
	_ =	sdelay $0x1  }
0x17: {  	s21 =	simm.s32 $_scs_section_size  }
0x18: {  	s6 =	simm.s32 $_size__tile_overlayer_lowered;
	s7 =	simm.s32 $_tile_overlayer_lowered  }
0x19: {  	s24 =	simm.s32 $0x1BFF;
	s23 =	sshll.u32 s7, $0x1;
	s4 =	sadd.s32 s21, s20  }
0x1a: {  	s8 =	simm.s32 $0x0;
	s22 =	sshll.u32 s6, $0x1;
	s6 =	sadd.s32 s23, s4  }
0x1b: {  	[timem:s8], [sflag:s24] =	dma.local [hbm:s6], s22  }
0x1c: {  	_ =	swait.ge [sflag:s24], s22  }
0x1d: {  	s5 =	ssub.s32 $0x0, s22;
	[sflag:s24] =	ssyncset.done $0x0  }
0x1e: {  	[sflag:s24] =	ssyncadd.s32 s5;
	_ =	sdelay $0x1  }
0x1f: {  	s25 =	simm.s32 $0x1B8B  }
0x20: {  	_ =	swait.ge [sflag:s25], $0x1  }
0x21: {  	[sflag:s25] =	ssyncset.done $0x0  }
0x22: {  	s26 =	simm.s32 $0x1B8E;
	[sflag:s25] =	ssyncadd.s32 $0xFFFFFFFF  }
0x23: {  	s27 =	simm.s32 $execute0_lowered;
	[smem:$0x3FD2] =	sst s26  }
0x24: {  	s5 =	sshll.u32 s27, $0x1;
	_ =	strace $0x8000004F;
	[dreg:$0x1] =	wrdreg $0xFFFFFFFF  }
0x25: {  	s28 =	simm.s32 $_size_execute0_lowered;
	s4 =	sadd.s32 s4, s5;
	[dreg:$0x0] =	wrdreg $0x0  }
0x26: {  	s5 =	sshll.u32 s28, $0x1;
	[dreg:$0x2] =	wrdreg s4  }
0x27: {  	[dreg:$0x3] =	wrdreg s5  }
0x28: {  	[dreg:$0x4] =	wrdreg $0xC0  }
0x29: {  	_ =	task [dreg:s8], $0x5FFFF  }
0x2a: {  	[dreg:$0x1] =	wrdreg $0xFFFFFFFF  }
0x2b: {  	[dreg:$0x0] =	wrdreg $0x60  }
0x2c: {  	[dreg:$0x2] =	wrdreg s17  }
0x2d: {  	[dreg:$0x3] =	wrdreg s18  }
0x2e: {  	[dreg:$0x4] =	wrdreg $0x9  }
0x2f: {  	_ =	task.clear_ibuf [dreg:s8], $0x5FFFF;
	_ =	strace $0x9000004F  }
0x30: {  	s29 =	simm.s32 $0x9;
	_ =	strace $0x80000051  }
0x31: {  	_ =	swait.ge [sflag:s29], $0x1  }
0x32: {  	[sflag:s29] =	ssyncadd.s32 $0xFFFFFFFF  }
0x33: {  	_ =	strace $0x90000051  }
0x34: {  	_ =	sfence  }
0x35: {  	s30 =	sld [smem:$0x0];
	_ =	sdelay $0x2  }
0x36: {  	s31 =	sshll.u32 s1, $0xD;
	s1 =	sshrl.u32 s1, $0x2  }
0x37: {  	s3 =	sand.u32 $0x4000, s31;
	s1 =	sadd.s32 s1, s30  }
0x38: {  	s0 =	sor.u32 s3, s0;
	s1 =	sshll.u32 s1, $0x11  }
0x39: {  	s0 =	sor.u32 s1, s0  }
0x3a: {  	s0 =	sadd.s32 $0x8F2B, s0  }
0x3b: {  	[sflag:s0] =	ssyncadd.remote.s32 $0x1  }
0x3c: {  	_ =	sfence.sel $0xFFFF  }
0x3d: {  	[dreg:$0x0] =	wrdreg $0xFFFFFFFF;
	(pc) =	sbr.abs _section_cstart, $3  }
0x3e: {  	[dreg:$0x1] =	wrdreg $0xFFFFFFFF  }
0x3f: {  	_ =	task.clear_ibuf [dreg:s8], $0x2FFFF;
	_ =	strace $0x9FFFFFFF  }
0x40: {  	(tm) =	ssettm $0x7FFFFFFF  }
0x41: {  	_ =	shalt  }
tec
execute0_lowered:
.L_overlay_start_1:
0x0: {  	(tag) =	ssettag $0x1  }
0x1: {  	s2 =	rddreg [dreg:$0x0]  }
0x2: {  	s3 =	rddreg [dreg:$0x1]  }
0x3: {  	s0 =	rddreg [dreg:$0x2];
	_ =	strace $0x80000050  }
0x4: {  	s4 =	srdreg.scid;
	s1 =	stileid.u32;
	s6 =	simm.s32 $0x2  }
.Ltmp0:
0x5: {  	s11 =	simm.s32 $0x0;
	p0 =	por $0x0, $0x0;
	(pc) =	sbr.rel .LBB1_1-.Ltmp0, $4  }
0x6: {  	s7 =	simm.s32 $0x1000;
	s12 =	simm.s32 $0x0;
	s5 =	sshll.u32 s4, $0x4  }
0x7: {  	s9 =	simm.s32 $0x0;
	s4 =	simm.s32 $0x1;
	s5 =	sand.u32 $0x10, s5  }
0x8: {  	s8 =	simm.s32 $0x0;
	[sflag:s4] =	ssyncpa.u1 $0x0;
	s5 =	sor.u32 s1, s5  }
0x9: {  	[sflag:s6] =	ssyncpa.u1 $0x0;
	s6 =	simm.s32 $0x800;
	s10 =	smov.u32 s5  }
.LBB1_7:
0xa: {  	s13 =	sadd.s32 $0x10, s9  }
0xb: {  	s11 =	sadd.s32 $0x20, s10;
	s15 =	smov.u32 s10;
	p2 =	sgt.s32 s13, $0x1F  }
0xc: {  	p1 =	slt.u32 s8, $0x2;
	s15 =	smov.u32 @p2 s11  }
0xd: {  	s8 =	sadd.s32 $0x1, s8;
	s13 =	simm.s32 @p2 $0x0;
	p2 =	sgt.s32 s15, $0x1FF  }
0xe: {  	s15 =	smov.u32 @p2 s5;
	p2 =	sne.s32 s8, $0x22  }
.Ltmp1:
0xf: {  	_ = 	snop;
	(pc) =	sbr.rel @!p2 .LBB1_8-.Ltmp1, $4  }
0x10: {  	s14 =	simm.s32 @!p1 $0x2  }
0x11: {  	s12 =	smov.u32 s10;
	_ =	swait.ge @!p1 [sflag:s14], $0x4000  }
0x12: {  	p0 =	por !p0, !p0;
	s11 =	smov.u32 s9;
	[sflag:s14] =	ssyncset.done @!p1 $0x0  }
0x13: {  	s9 =	smov.u32 s13;
	[sflag:s14] =	ssyncadd.s32 @!p1 $0xFFFFC000;
	s10 =	smov.u32 s15  }
.LBB1_1:
0x14: {  	p1 =	sgt.u32 s8, $0x1F  }
0x15: {  	s13 =	sxor.u32 @!p1 $0xFFFFFFFF, s8;
	s14 =	sshll.u32 @!p1 s10, $0xC  }
0x16: {  	s15 =	sshll.u32 @!p1 s9, $0x7;
	s13 =	sshll.u32 @!p1 s13, $0xE;
	s14 =	sadd.s32 @!p1 s2, s14  }
0x17: {  	s13 =	sand.u32 @!p1 $0x4000, s13;
	s14 =	sadd.s32 @!p1 s15, s14;
	s15 =	simm.s32 @!p1 $0x0  }
0x18: {  	[tilespmem:s13], [sflag:$0x1] =	stream.linear.gather @!p1 [hbm4b:s14+s15], $0x4000, $0x38;
	[tilespmem:$0x10000] =	vst v63  }
0x19: {  	p1 =	seq.s32 s8, $0x0  }
0x1a: {  	p2 =	seq.s32 @!p1 s8, $0x21  }
0x1b: {  	p1 =	por p1, p2  }
.Ltmp2:
0x1c: {  	_ = 	snop;
	(pc) =	sbr.rel @p1 .LBB1_7-.Ltmp2, $1  }
0x1d: {  	_ =	sdelay $0x3  }
0x1e: {  	s13 =	simm.s32 $0x1;
	_ =	swait.ge [sflag:s4], $0x4000;
	s16 =	sshll.u32 s8, $0xE  }
0x1f: {  	s13 =	simm.s32 @!p0 $0x0;
	[sflag:s4] =	ssyncset.done $0x0;
	s31 =	sand.u32 $0x4000, s16  }
0x20: {  	s16 =	simm.s32 $0x0;
	s14 =	sshll.u32 s13, $0xE;
	[sflag:s4] =	ssyncadd.s32 $0xFFFFC000  }
0x21: {  	s13 =	sor.u32 $0x8040, s14;
	s15 =	sor.u32 $0x40, s14;
	s14 =	sor.u32 $0x8000, s31  }
.LBB1_3:
0x22: {  	v0 =	vmov s15;
	_ =	sdelay $0x3  }
0x23: {  	s18 =	simm.s32 $0x0  }
0x24: {  	v6 =	vld.idx.msk [tilespmem:v0+s18+$0x30 ss:$0x1], $0xffff  }
0x25: {  	v7 =	vld.idx.msk [tilespmem:v0+s18+$0xFFFFFFC0 ss:$0x1], $0xffff  }
0x26: {  	v5 =	vld.idx.msk [tilespmem:v0+s18+$0xFFFFFFD0 ss:$0x1], $0xffff  }
0x27: {  	v4 =	vld.idx.msk [tilespmem:v0+s18+$0xFFFFFFE0 ss:$0x1], $0xffff  }
0x28: {  	v3 =	vld.idx.msk [tilespmem:v0+s18+$0xFFFFFFF0 ss:$0x1], $0xffff  }
0x29: {  	v1 =	vld.idx.msk [tilespmem:v0+s18+$0x0 ss:$0x1], $0xffff  }
0x2a: {  	v2 =	vld.idx.msk [tilespmem:v0+s18+$0x10 ss:$0x1], $0xffff;
	[tilespmem:s13+$0x30] =	vst v6  }
0x2b: {  	s17 =	simm.s32 $0x80;
	s19 =	simm.s32 $0x400;
	[tilespmem:s13+$0xFFFFFFC0] =	vst v7;
	v6 =	vld.idx.msk [tilespmem:v0+s18+$0x20 ss:$0x1], $0xffff;
	s18 =	smov.u32 s13  }
.LBB1_4:
0x2c: {  	p1 =	sne.s32 s19, $0xE00;
	v7 =	vld.idx.msk [tilespmem:v0+s17+$0x30 ss:$0x1], $0xffff;
	[tilespmem:s18+$0xFFFFFFD0] =	vst v5  }
0x2d: {  	v8 =	vld.idx.msk [tilespmem:v0+s17+$0xFFFFFFC0 ss:$0x1], $0xffff;
	[tilespmem:s18+$0xFFFFFFE0] =	vst v4  }
0x2e: {  	v5 =	vld.idx.msk [tilespmem:v0+s17+$0xFFFFFFD0 ss:$0x1], $0xffff;
	[tilespmem:s18+$0xFFFFFFF0] =	vst v3  }
.Ltmp3:
0x2f: {  	v4 =	vld.idx.msk [tilespmem:v0+s17+$0xFFFFFFE0 ss:$0x1], $0xffff;
	[tilespmem:s18+$0x0] =	vst v1;
	(pc) =	sbr.rel @p1 .LBB1_4-.Ltmp3, $4  }
0x30: {  	v3 =	vld.idx.msk [tilespmem:v0+s17+$0xFFFFFFF0 ss:$0x1], $0xffff;
	[tilespmem:s18+$0x10] =	vst v2  }
0x31: {  	v1 =	vld.idx.msk [tilespmem:v0+s17+$0x0 ss:$0x1], $0xffff;
	[tilespmem:s18+$0x20] =	vst v6;
	s18 =	sadd.s32 $0x800, s18  }
0x32: {  	v2 =	vld.idx.msk [tilespmem:v0+s17+$0x10 ss:$0x1], $0xffff;
	[tilespmem:s18+$0x30] =	vst v7  }
0x33: {  	[tilespmem:s18+$0xFFFFFFC0] =	vst v8;
	v6 =	vld.idx.msk [tilespmem:v0+s17+$0x20 ss:$0x1], $0xffff;
	s17 =	sshra.s32 s19, $0x2;
	s19 =	sadd.s32 $0x200, s19  }
0x34: {  	_ =	sdelay $0x2  }
0x35: {  	[tilespmem:s18+$0xFFFFFFD0] =	vst v5  }
0x36: {  	v56 =	vld.idx.msk [tilespmem:v0+s17+$0x30 ss:$0x1], $0xffff;
	[tilespmem:s18+$0xFFFFFFE0] =	vst v4  }
0x37: {  	v57 =	vld.idx.msk [tilespmem:v0+s17+$0xFFFFFFC0 ss:$0x1], $0xffff;
	[tilespmem:s18+$0xFFFFFFF0] =	vst v3  }
0x38: {  	v58 =	vld.idx.msk [tilespmem:v0+s17+$0xFFFFFFD0 ss:$0x1], $0xffff;
	[tilespmem:s18+$0x0] =	vst v1  }
0x39: {  	v59 =	vld.idx.msk [tilespmem:v0+s17+$0xFFFFFFE0 ss:$0x1], $0xffff;
	[tilespmem:s18+$0x10] =	vst v2  }
0x3a: {  	v60 =	vld.idx.msk [tilespmem:v0+s17+$0xFFFFFFF0 ss:$0x1], $0xffff;
	s31 =	sadd.s32 $0x800, s18;
	[tilespmem:s18+$0x20] =	vst v6  }
0x3b: {  	v61 =	vld.idx.msk [tilespmem:v0+s17+$0x0 ss:$0x1], $0xffff;
	[tilespmem:s31+$0x30] =	vst v56  }
0x3c: {  	v62 =	vld.idx.msk [tilespmem:v0+s17+$0x10 ss:$0x1], $0xffff;
	s16 =	sadd.s32 $0x1, s16;
	[tilespmem:s31+$0xFFFFFFC0] =	vst v57  }
0x3d: {  	v63 =	vld.idx.msk [tilespmem:v0+s17+$0x20 ss:$0x1], $0xffff;
	p1 =	sne.s32 s16, $0x10;
	[tilespmem:s31+$0xFFFFFFD0] =	vst v58  }
.Ltmp4:
0x3e: {  	[tilespmem:s31+$0xFFFFFFE0] =	vst v59;
	(pc) =	sbr.rel @p1 .LBB1_3-.Ltmp4, $4  }
0x3f: {  	[tilespmem:s31+$0xFFFFFFF0] =	vst v60  }
0x40: {  	[tilespmem:s31+$0x0] =	vst v61  }
0x41: {  	[tilespmem:s31+$0x10] =	vst v62  }
0x42: {  	s13 =	sadd.s32 $0x80, s13;
	s15 =	sadd.s32 $0x400, s15;
	[tilespmem:s31+$0x20] =	vst v63  }
.Ltmp5:
0x43: {  	(pc) =	sbr.rel .LBB1_7-.Ltmp5, $4  }
0x44: {  	s12 =	sshll.u32 s12, $0xC;
	s11 =	sshll.u32 s11, $0x4  }
0x45: {  	s11 =	sand.u32 $0x1F0, s11;
	s12 =	sadd.s32 s3, s12  }
0x46: {  	s11 =	sadd.s32 s11, s12  }
0x47: {  	[hbm4b:s11+s6] =	stream.strided.scatter [tilespmem:s14], [sflag:$0x2], $0x4000, s7, s6, $0x38;
	[tilespmem:$0x10000] =	vst v63  }
.LBB1_8:
0x48: {  	_ =	sfence.sel $0x180000  }
0x49: {  	s2 =	simm.s32 $0x1;
	[bflag:$0x0] =	sbarrier.arrive $0xFFFF  }
0x4a: {  	s31 =	simm.s32 $0x2;
	[sflag:s2] =	ssyncpa.u1 $0x1  }
0x4b: {  	[sflag:s31] =	ssyncpa.u1 $0x1  }
0x4c: {  	p0 =	sne.s32 s1, $0x0;
	_ =	strace $0x90000050  }
0x4d: {  	s0 =	sadd.s32 @!p0 $0x100000, s0;
	[bflag:$0x2] =	sbarrier.arrive $0xFFFF  }
0x4e: {  	[sflag:s0] =	ssyncadd.tile.s32 @!p0 $0x1;
	_ =	shalt  }
.Lfunc_end1:
_tile_overlayer_lowered:
.L_overlay_start_2:
0x4f: {  	(tag) =	ssettag $0x2  }
0x50: {  	s0 =	rddreg [dreg:$0x0];
	s2 =	stileid.u32  }
0x51: {  	s1 =	rddreg [dreg:$0x1];
	p0 =	sne.s32 s2, $0x0  }
0x52: {  	s3 =	rddreg [dreg:$0x2];
	[bflag:$0x3] =	sbarrier.arrive $0xFFFF;
	s2 =	simm.s32 @!p0 $0x1C01  }
0x53: {  	[timem:s3], [sflag:s2] =	dma.local @!p0 [hbm:s0], s1  }
0x54: {  	s0 =	simm.s32 @!p0 $0x1  }
0x55: {  	_ =	swait.ge @!p0 [sflag:s0], s1  }
0x56: {  	s1 =	ssub.s32 @!p0 $0x0, s1;
	[sflag:s0] =	ssyncset.done @!p0 $0x0  }
0x57: {  	[sflag:s0] =	ssyncadd.s32 @!p0 s1  }
0x58: {  	[bflag:$0x3] =	sbarrier.arrive $0xFFFF  }
0x59: {  	_ =	shalt  }

// kernel: sparse-core-data-format-call.cloned.1.call-start
scs
called_computation.1_lowered:
.L_overlay_start_0:
0x0: {  	s2 =	sld [smem:$0x3FD9]  }
0x1: {  	s3 =	sld [smem:$0x3FFE];
	_ =	sdelay $0x1  }
0x2: {  	s1 =	srdreg.scid  }
0x3: {  	s0 =	sand.u32 $0x1, s1  }
0x4: {  	s15 =	sshll.u32 s0, $0xA;
	s2 =	sadd.s32 s3, s2  }
0x5: {  	s2 =	sadd.s32 s2, s15  }
0x6: {  	[smem:$0x3FC7] =	sst s2  }
0x7: {  	_ = 	snop  }
0x8: {  	s2 =	sld [smem:$0x3FD0];
	_ =	sdelay $0x2  }
0x9: {  	s16 =	simm.s32 $0xA;
	s4 =	simm.s32 $0x10  }
0xa: {  	[smem:s4], [sflag:s16] =	dma.local [hbm:s2], $0x1  }
0xb: {  	_ =	swait.eq [sflag:s16], $0x1  }
0xc: {  	[sflag:s16] =	ssyncset.done $0x0  }
0xd: {  	[sflag:s16] =	ssyncadd.s32 $0xFFFFFFFF  }
0xe: {  	s17 =	sld [smem:$0x12];
	(tm) =	ssettm $0x1  }
0xf: {  	s18 =	sld [smem:$0x3FFB];
	_ =	sdelay $0x3  }
0x10: {  	_ =	strace s18  }
0x11: {  	s3 =	sld [smem:$0x3FFC];
	_ =	sdelay $0x3  }
0x12: {  	_ =	strace s3  }
0x13: {  	s3 =	sld [smem:$0x3FFD];
	_ =	sdelay $0x3  }
0x14: {  	_ =	strace s3  }
0x15: {  	_ =	strace $0x8FFFFFFF  }
0x16: {  	s19 =	sld [smem:$0x3FDB];
	_ =	sdelay $0x1  }
0x17: {  	s20 =	simm.s32 $_scs_section_size  }
0x18: {  	s5 =	simm.s32 $_size__tile_overlayer_lowered;
	s6 =	simm.s32 $_tile_overlayer_lowered  }
0x19: {  	s23 =	simm.s32 $0x1BFF;
	s22 =	sshll.u32 s6, $0x1;
	s3 =	sadd.s32 s20, s19  }
0x1a: {  	s7 =	simm.s32 $0x0;
	s21 =	sshll.u32 s5, $0x1;
	s5 =	sadd.s32 s22, s3  }
0x1b: {  	[timem:s7], [sflag:s23] =	dma.local [hbm:s5], s21  }
0x1c: {  	_ =	swait.ge [sflag:s23], s21  }
0x1d: {  	s4 =	ssub.s32 $0x0, s21;
	[sflag:s23] =	ssyncset.done $0x0  }
0x1e: {  	[sflag:s23] =	ssyncadd.s32 s4;
	_ =	sdelay $0x1  }
0x1f: {  	s24 =	simm.s32 $0x1B8B  }
0x20: {  	_ =	swait.ge [sflag:s24], $0x1  }
0x21: {  	[sflag:s24] =	ssyncset.done $0x0  }
0x22: {  	s26 =	simm.s32 $0x1B8E;
	s25 =	sld [smem:$0x3FFE];
	[sflag:s24] =	ssyncadd.s32 $0xFFFFFFFF  }
0x23: {  	s27 =	simm.s32 $execute0_lowered;
	[smem:$0x3FD2] =	sst s26  }
0x24: {  	s5 =	sshll.u32 s27, $0x1;
	_ =	strace $0x8000004C;
	[dreg:$0x1] =	wrdreg $0xFFFFFFFF  }
0x25: {  	s28 =	simm.s32 $_size_execute0_lowered;
	s3 =	sadd.s32 s3, s5;
	[dreg:$0x0] =	wrdreg $0x0  }
0x26: {  	s5 =	sshll.u32 s28, $0x1;
	[dreg:$0x2] =	wrdreg s3  }
0x27: {  	[dreg:$0x3] =	wrdreg s5  }
0x28: {  	[dreg:$0x4] =	wrdreg $0xC0  }
0x29: {  	_ =	task [dreg:s7], $0x5FFFF  }
0x2a: {  	[dreg:$0x1] =	wrdreg $0xFFFFFFFF  }
0x2b: {  	[dreg:$0x0] =	wrdreg $0x60  }
0x2c: {  	[dreg:$0x2] =	wrdreg s25  }
0x2d: {  	[dreg:$0x3] =	wrdreg s17  }
0x2e: {  	[dreg:$0x4] =	wrdreg $0x9  }
0x2f: {  	_ =	task.clear_ibuf [dreg:s7], $0x5FFFF;
	_ =	strace $0x9000004C  }
0x30: {  	s29 =	simm.s32 $0x9;
	_ =	strace $0x8000004E  }
0x31: {  	_ =	swait.ge [sflag:s29], $0x1  }
0x32: {  	[sflag:s29] =	ssyncadd.s32 $0xFFFFFFFF  }
0x33: {  	_ =	strace $0x9000004E  }
0x34: {  	_ =	sfence  }
0x35: {  	s30 =	sld [smem:$0x0];
	_ =	sdelay $0x2  }
0x36: {  	s31 =	sshll.u32 s1, $0xD;
	s1 =	sshrl.u32 s1, $0x2  }
0x37: {  	s3 =	sand.u32 $0x4000, s31;
	s1 =	sadd.s32 s1, s30  }
0x38: {  	s0 =	sor.u32 s3, s0;
	s1 =	sshll.u32 s1, $0x11  }
0x39: {  	s0 =	sor.u32 s1, s0  }
0x3a: {  	s0 =	sadd.s32 $0x8F2B, s0  }
0x3b: {  	[sflag:s0] =	ssyncadd.remote.s32 $0x1  }
0x3c: {  	_ =	sfence.sel $0xFFFF  }
0x3d: {  	[dreg:$0x0] =	wrdreg $0xFFFFFFFF;
	(pc) =	sbr.abs _section_cstart, $3  }
0x3e: {  	[dreg:$0x1] =	wrdreg $0xFFFFFFFF  }
0x3f: {  	_ =	task.clear_ibuf [dreg:s7], $0x2FFFF;
	_ =	strace $0x9FFFFFFF  }
0x40: {  	(tm) =	ssettm $0x7FFFFFFF  }
0x41: {  	_ =	shalt  }
tec
execute0_lowered:
.L_overlay_start_1:
0x0: {  	(tag) =	ssettag $0x1  }
0x1: {  	s5 =	rddreg [dreg:$0x0]  }
0x2: {  	s0 =	srdreg.scid;
	s3 =	rddreg [dreg:$0x1];
	s7 =	simm.s32 $0x1  }
0x3: {  	s8 =	simm.s32 $0x2;
	s15 =	simm.s32 $0x0;
	s1 =	sshll.u32 s0, $0x4  }
0x4: {  	s14 =	simm.s32 $0x0;
	s0 =	stileid.u32;
	s1 =	sand.u32 $0x10, s1  }
0x5: {  	s9 =	simm.s32 $0x0;
	s10 =	simm.s32 $0x0;
	s1 =	sor.u32 s0, s1  }
0x6: {  	s11 =	simm.s32 $0x0;
	s13 =	simm.s32 $0x0;
	s2 =	sshll.u32 s1, $0x7  }
0x7: {  	s5 =	sadd.s32 $0x280200, s5;
	s1 =	rddreg [dreg:$0x2];
	s6 =	ssub.s32 $0x400000, s2  }
.Ltmp0:
0x8: {  	_ =	strace $0x8000004D;
	s4 =	sand.u32 $0xF80, s6;
	(pc) =	sbr.rel .LBB1_1-.Ltmp0, $4  }
0x9: {  	s12 =	smov.u32 s2;
	p0 =	sne.s32 s4, $0x0;
	s4 =	simm.s32 $0x1  }
0xa: {  	s6 =	sshrl.u32 s6, $0xC;
	s7 =	simm.s32 @!p0 $0x0;
	[sflag:s4] =	ssyncpa.u1 $0x0  }
0xb: {  	p0 =	por $0x0, $0x0;
	s7 =	sadd.s32 s7, s6;
	[sflag:s8] =	ssyncpa.u1 $0x0  }
0xc: {  	s8 =	simm.s32 $0x800000;
	s6 =	sshll.u32 s7, $0x1;
	s7 =	sshllo.u32 s7, $0x1  }
.LBB1_4:
0xd: {  	p1 =	sgt.s32 s9, $0x1  }
0xe: {  	s18 =	smov.u32 s9;
	s19 =	sshra.s32 s9, $0x1F;
	s20 =	sshll.u32 s10, $0x1  }
0xf: {  	s21 =	smov.u32 s10;
	s22 =	sshra.s32 s10, $0x1F;
	s24 =	sand.u32 $0x78, s10  }
0x10: {  	s25 =	sshll.u32 s9, $0x14;
	s26 =	sshrl.u32 s10, $0x2;
	s27 =	sand.u32 $0x7, s10  }
0x11: {  	s18 =	simm.s32 @!p1 $0x1;
	s19 =	sand.u32 s19, s9;
	p1 =	sgt.s32 s10, $0x3FFF80  }
0x12: {  	s23 =	sand.u32 s22, s10;
	s19 =	sxor.u32 $0xFFFFFFFF, s19;
	s21 =	simm.s32 @!p1 $0x3FFF80  }
0x13: {  	s20 =	sand.u32 $0x3FFF00, s20;
	s18 =	sadd.s32 s19, s18;
	s19 =	ssub.s32 s21, s23  }
0x14: {  	p1 =	sgt.s32 s18, $0x0;
	s18 =	sshll.u32 s18, $0x1;
	s21 =	sadd.s32 $0xFFC00080, s19  }
0x15: {  	s19 =	ssub.s32 $0x400000, s19;
	s18 =	ssub.s32 $0x2, s18;
	p2 =	sgt.s32 s21, $0x7F  }
0x16: {  	s20 =	sor.u32 s24, s20;
	s18 =	simm.s32 @p1 $0x0;
	s19 =	simm.s32 @p2 $0x0  }
0x17: {  	s21 =	sand.u32 $0x80000, s26;
	s18 =	smul.u32 s19, s18;
	s19 =	sadd.s32 s3, s25  }
0x18: {  	s28 =	sshll.u32 s27, $0x12;
	s20 =	sshrl.u32 s20, $0x3;
	s19 =	sadd.s32 s21, s19  }
0x19: {  	[tilespmem:s17+$0x0 ss:$0x81] =	vst.msk $0xffff, v0;
	s31 =	sor.u32 $0x100, s28;
	s29 =	sand.u32 $0x3FFFFFFE, s18;
	s30 =	sadd.s32 s20, s19  }
0x1a: {  	[hbm4b:s30+s31] =	stream.strided.scatter [tilespmem:s16], [sflag:$0x2], s29, s8, s31, $0x20;
	[tilespmem:$0x4040] =	vst v63  }
.LBB1_5:
0x1b: {  	p1 =	slt.u32 s13, $0x2  }
0x1c: {  	p2 =	sgt.s32 @!p1 s15, $0x1  }
0x1d: {  	s16 =	smov.u32 s15;
	s17 =	sshra.s32 @!p1 s15, $0x1F;
	p2 =	por !p2, p1  }
0x1e: {  	s18 =	sshra.s32 @!p1 s14, $0x1F;
	s16 =	simm.s32 @p2 $0x1;
	p2 =	sgt.s32 @!p1 s14, $0x3FFF80  }
0x1f: {  	s15 =	sand.u32 @!p1 s17, s15;
	s17 =	smov.u32 s14;
	p2 =	por !p2, p1  }
0x20: {  	s15 =	sxor.u32 @!p1 $0xFFFFFFFF, s15;
	s14 =	sand.u32 @!p1 s18, s14;
	s17 =	simm.s32 @p2 $0x3FFF80  }
0x21: {  	s15 =	sadd.s32 @!p1 s15, s16;
	s14 =	ssub.s32 @!p1 s17, s14  }
0x22: {  	s18 =	smov.u32 s12;
	s16 =	sshll.u32 @!p1 s15, $0x1;
	s17 =	sadd.s32 @!p1 $0xFFC00080, s14  }
0x23: {  	p2 =	sgt.s32 @!p1 s15, $0x0;
	s15 =	ssub.s32 @!p1 $0x2, s16;
	p3 =	sgt.s32 @!p1 s17, $0x7F  }
0x24: {  	p2 =	por !p2, p1;
	s14 =	ssub.s32 @!p1 $0x400000, s14;
	p3 =	por !p3, p1  }
0x25: {  	s16 =	sadd.s32 $0x1, s11;
	s15 =	simm.s32 @!p2 $0x0;
	s14 =	simm.s32 @!p3 $0x0  }
0x26: {  	p2 =	sgt.s32 s16, $0x1;
	s14 =	smul.u32 @!p1 s14, s15;
	s15 =	sadd.s32 $0x1000, s12  }
0x27: {  	s18 =	smov.u32 @p2 s15  }
0x28: {  	s16 =	simm.s32 @p2 $0x0;
	p2 =	sgt.s32 s18, $0x3FFFFF  }
0x29: {  	s18 =	smov.u32 @p2 s2;
	p2 =	sne.s32 s13, s7  }
.Ltmp1:
0x2a: {  	p0 =	por !p0, !p0;
	s17 =	simm.s32 @!p1 $0x2;
	(pc) =	sbr.rel @!p2 .LBB1_6-.Ltmp1, $4  }
0x2b: {  	s15 =	smov.u32 s9;
	s9 =	smov.u32 s11;
	s14 =	sand.u32 @!p1 $0x3FFFFFFE, s14  }
0x2c: {  	s11 =	smov.u32 s16;
	_ =	swait.ge @!p1 [sflag:s17], s14;
	s19 =	ssub.s32 @!p1 $0x0, s14  }
0x2d: {  	s14 =	smov.u32 s10;
	s13 =	sadd.s32 $0x1, s13;
	[sflag:s17] =	ssyncset.done @!p1 $0x0  }
0x2e: {  	s10 =	smov.u32 s12;
	s12 =	smov.u32 s18;
	[sflag:s17] =	ssyncadd.s32 @!p1 s19  }
.LBB1_1:
0x2f: {  	p1 =	sge.u32 s13, s6  }
0x30: {  	s31 =	sadd.s32 $0xFFFFFFFF, s13;
	s16 =	sxor.u32 @!p1 $0xFFFFFFFF, s13  }
0x31: {  	s17 =	sshll.u32 @!p1 s12, $0x5;
	s18 =	sshll.u32 @!p1 s11, $0x4;
	s19 =	simm.s32 @!p1 $0x100  }
0x32: {  	s16 =	sshll.u32 @!p1 s16, $0xC;
	s18 =	sand.u32 @!p1 $0x10, s18;
	s17 =	sadd.s32 @!p1 s5, s17  }
0x33: {  	s16 =	sand.u32 @!p1 $0x1000, s16;
	s17 =	sadd.s32 @!p1 s18, s17;
	s18 =	simm.s32 @!p1 $0x20  }
0x34: {  	[tilespmem:s16], [sflag:$0x1] =	stream.strided.gather @!p1 [hbm4b:s17+s18], $0x1000, s19, s18, $0x38;
	[tilespmem:$0x4040] =	vst v63  }
0x35: {  	p1 =	sge.u32 s31, s6  }
.Ltmp2:
0x36: {  	_ = 	snop;
	(pc) =	sbr.rel @p1 .LBB1_5-.Ltmp2, $1  }
0x37: {  	_ =	sdelay $0x3  }
0x38: {  	s16 =	simm.s32 $0x1  }
0x39: {  	_ =	swait.ge [sflag:s4], $0x1000;
	s16 =	simm.s32 @!p0 $0x0  }
0x3a: {  	[sflag:s4] =	ssyncset.done $0x0;
	s17 =	sshll.u32 s16, $0xC  }
0x3b: {  	[sflag:s4] =	ssyncadd.s32 $0xFFFFF000;
	s20 =	sor.u32 $0x10, s17  }
0x3c: {  	s16 =	smul.u32 $0x4080, s16;
	v1 =	vld [tilespmem:s20+$0x0]  }
0x3d: {  	s30 =	sand.u32 $0x1, s13;
	v0 =	vld [tilespmem:s20+$0xFFFFFFF0]  }
0x3e: {  	s17 =	smul.u32 $0x4080, s30;
	s16 =	sshrl.u32 s16, $0x2  }
0x3f: {  	s18 =	sor.u32 $0x2000, s16  }
0x40: {  	s31 =	sshrl.u32 s17, $0x2;
	s17 =	sadd.s32 $0x0, s18  }
0x41: {  	s19 =	simm.s32 $0x4;
	s20 =	sadd.s32 $0x20, s20;
	s16 =	sor.u32 $0x2000, s31;
	[tilespmem:s17+$0x810 ss:$0x81] =	vst.msk $0xffff, v1  }
.LBB1_3:
0x42: {  	v1 =	vld [tilespmem:s20+$0x0];
	p1 =	sne.s32 s19, $0x1FC;
	[tilespmem:s17+$0x0 ss:$0x81] =	vst.msk $0xffff, v0;
	s17 =	smov.u32 s19;
	s19 =	sadd.s32 $0x4, s19  }
.Ltmp3:
0x43: {  	v0 =	vld [tilespmem:s20+$0xFFFFFFF0];
	(pc) =	sbr.rel @p1 .LBB1_3-.Ltmp3, $4  }
0x44: {  	_ = 	snop  }
0x45: {  	s17 =	sshra.s32 s17, $0x2  }
0x46: {  	s17 =	sadd.s32 s17, s18  }
0x47: {  	s20 =	sadd.s32 $0x20, s20;
	[tilespmem:s17+$0x810 ss:$0x81] =	vst.msk $0xffff, v1  }
.Ltmp4:
0x48: {  	_ = 	snop;
	(pc) =	sbr.rel .LBB1_4-.Ltmp4, $1  }
0x49: {  	_ =	sdelay $0x3  }
.LBB1_6:
0x4a: {  	_ =	sfence.sel $0x180000  }
0x4b: {  	s2 =	simm.s32 $0x1;
	[bflag:$0x0] =	sbarrier.arrive $0xFFFF  }
0x4c: {  	s31 =	simm.s32 $0x2;
	[sflag:s2] =	ssyncpa.u1 $0x1  }
0x4d: {  	[sflag:s31] =	ssyncpa.u1 $0x1  }
0x4e: {  	p0 =	sne.s32 s0, $0x0;
	_ =	strace $0x9000004D  }
0x4f: {  	s0 =	sadd.s32 @!p0 $0x100000, s1;
	[bflag:$0x2] =	sbarrier.arrive $0xFFFF  }
0x50: {  	[sflag:s0] =	ssyncadd.tile.s32 @!p0 $0x1;
	_ =	shalt  }
.Lfunc_end1:
_tile_overlayer_lowered:
.L_overlay_start_2:
0x51: {  	(tag) =	ssettag $0x2  }
0x52: {  	s0 =	rddreg [dreg:$0x0];
	s2 =	stileid.u32  }
0x53: {  	s1 =	rddreg [dreg:$0x1];
	p0 =	sne.s32 s2, $0x0  }
0x54: {  	s3 =	rddreg [dreg:$0x2];
	[bflag:$0x3] =	sbarrier.arrive $0xFFFF;
	s2 =	simm.s32 @!p0 $0x1C01  }
0x55: {  	[timem:s3], [sflag:s2] =	dma.local @!p0 [hbm:s0], s1  }
0x56: {  	s0 =	simm.s32 @!p0 $0x1  }
0x57: {  	_ =	swait.ge @!p0 [sflag:s0], s1  }
0x58: {  	s1 =	ssub.s32 @!p0 $0x0, s1;
	[sflag:s0] =	ssyncset.done @!p0 $0x0  }
0x59: {  	[sflag:s0] =	ssyncadd.s32 @!p0 s1  }
0x5a: {  	[bflag:$0x3] =	sbarrier.arrive $0xFFFF  }
0x5b: {  	_ =	shalt  }

</sc_bundles>
